<compile_context>
chip_gen: v7x
topology: tpu7x:2x2x1
jax: 0.10.2.dev20260603
libtpu: 0.0.44.dev20260713+nightly
codegen_flags: <defaults>
</compile_context>

<pallas_src>
import jax
import jax.numpy as jnp
from jax import lax
from jax.experimental import pallas as pl
from jax.experimental.pallas import tpu as pltpu
from jax.experimental.pallas import tpu_sc as plsc

N_NODES = 100000
N_EDGES = 6400000
NP = 100096
D = 8

GRP = 128
G_PER_CHUNK = 8
CHUNK = GRP * G_PER_CHUNK
N_CHUNKS = N_EDGES // CHUNK
N_GRPS = N_EDGES // GRP

NC, NS = 2, 16
NW = NC * NS
CHUNKS_PER_W = -(-N_CHUNKS // NW)
ROWS_PER_TILE = NP // NS


def _sc_body(ev0_hbm, ev1_hbm, ev2_hbm, idx_hbm, zeros_hbm,
             outp_hbm, outm_hbm,
             ev_v, p0_v, p1_v, p2_v, idx_v, acc_p, acc_m,
             sem_in, sem_idx, sem_sc):
    c = lax.axis_index("c")
    s = lax.axis_index("s")
    w = s * NC + c

    r0 = pl.multiple_of(s * ROWS_PER_TILE, 8)
    pltpu.sync_copy(zeros_hbm.at[pl.ds(r0, ROWS_PER_TILE), :],
                    acc_p.at[pl.ds(r0, ROWS_PER_TILE), :])
    pltpu.sync_copy(zeros_hbm.at[pl.ds(r0, ROWS_PER_TILE), :],
                    acc_m.at[pl.ds(r0, ROWS_PER_TILE), :])
    plsc.subcore_barrier()

    def stage_planes(cid):
        ebase = pl.multiple_of(cid * CHUNK, 8)
        for ev_hbm, pv in ((ev0_hbm, p0_v), (ev1_hbm, p1_v), (ev2_hbm, p2_v)):
            pltpu.async_copy(ev_hbm.at[pl.ds(ebase, CHUNK)], pv, sem_in)

    @pl.when(w < N_CHUNKS)
    def _():
        stage_planes(w)

    def chunk_body(i, carry):
        cid = w + NW * i

        @pl.when(cid < N_CHUNKS)
        def _():
            gbase = pl.multiple_of(cid * 2 * G_PER_CHUNK, 16)
            idx_dma = pltpu.async_copy(
                idx_hbm.at[pl.ds(gbase, 2 * G_PER_CHUNK), :], idx_v, sem_idx)
            for ref in (p0_v, p1_v, p2_v):
                pltpu.make_async_copy(ev0_hbm.at[pl.ds(0, CHUNK)], ref,
                                      sem_in).wait()

            lanes = lax.iota(jnp.int32, 16)
            cols3 = [jnp.full((16,), j, jnp.int32) for j in range(3)]

            def rep_body(k, carry3):
                rows = k * 16 + lanes
                for j, pv in enumerate((p0_v, p1_v, p2_v)):
                    v = pv[pl.ds(k * 16, 16)]
                    plsc.store_scatter(ev_v, [rows, cols3[j]], v)
                return carry3

            lax.fori_loop(0, CHUNK // 16, rep_body, 0, unroll=4)

            idx_dma.wait()
            scat = []
            for g in range(G_PER_CHUNK):
                src = ev_v.at[pl.ds(g * GRP, GRP), :]
                scat.append(pltpu.async_copy(src, acc_p.at[idx_v.at[2 * g]],
                                             sem_sc, add=True))
                scat.append(pltpu.async_copy(src, acc_m.at[idx_v.at[2 * g + 1]],
                                             sem_sc, add=True))

            cid2 = cid + NW

            @pl.when(cid2 < N_CHUNKS)
            def _():
                stage_planes(cid2)

            for d in scat:
                d.wait()
        return carry

    lax.fori_loop(0, CHUNKS_PER_W, chunk_body, 0)

    plsc.subcore_barrier()
    pltpu.sync_copy(acc_p.at[pl.ds(r0, ROWS_PER_TILE), :],
                    outp_hbm.at[c, pl.ds(r0, ROWS_PER_TILE), :])
    pltpu.sync_copy(acc_m.at[pl.ds(r0, ROWS_PER_TILE), :],
                    outm_hbm.at[c, pl.ds(r0, ROWS_PER_TILE), :])


def _scatter_partials(ev0, ev1, ev2, idx_il, zeros):
    mesh = plsc.VectorSubcoreMesh(core_axis_name="c", subcore_axis_name="s")
    return pl.kernel(
        _sc_body,
        compiler_params=pltpu.CompilerParams(use_tc_tiling_on_sc=False,
                                             needs_layout_passes=False),
        out_type=(jax.ShapeDtypeStruct((NC, NP, D), jnp.float32),
                  jax.ShapeDtypeStruct((NC, NP, D), jnp.float32)),
        mesh=mesh,
        scratch_types=[
            pltpu.VMEM((CHUNK, D), jnp.float32),
            pltpu.VMEM((CHUNK,), jnp.float32),
            pltpu.VMEM((CHUNK,), jnp.float32),
            pltpu.VMEM((CHUNK,), jnp.float32),
            pltpu.VMEM((2 * G_PER_CHUNK, GRP), jnp.int32),
            pltpu.VMEM_SHARED((NP, D), jnp.float32),
            pltpu.VMEM_SHARED((NP, D), jnp.float32),
            pltpu.SemaphoreType.DMA,
            pltpu.SemaphoreType.DMA,
            pltpu.SemaphoreType.DMA,
        ],
    )(ev0, ev1, ev2, idx_il, zeros)


_CROWS = NP * D // 128


def _combine_body(c_ref, p_ref, m_ref, o_ref):
    t = (p_ref[0] + p_ref[1]) - (m_ref[0] + m_ref[1])
    o_ref[...] = t * c_ref[...]


def _combine(outp, outm, cpat):
    p = outp.reshape(NC, _CROWS, 128)
    m = outm.reshape(NC, _CROWS, 128)
    return pl.pallas_call(
        _combine_body,
        out_shape=jax.ShapeDtypeStruct((_CROWS, 128), jnp.float32),
    )(cpat, p, m)


def kernel(edge_vec, edge_idx, energy_coeff):
    idx_il = (edge_idx.reshape(2, N_GRPS, GRP)
              .transpose(1, 0, 2).reshape(2 * N_GRPS, GRP))
    zeros = jnp.zeros((NP, D), jnp.float32)
    outp, outm = _scatter_partials(edge_vec[:, 0], edge_vec[:, 1],
                                   edge_vec[:, 2], idx_il, zeros)
    cpat = jnp.tile(jnp.pad(2.0 * energy_coeff, (0, D - 3)), 128 // D)
    combined = _combine(outp, outm, cpat.reshape(1, 128))
    return combined.reshape(NP, D)[:N_NODES, :3]

# --- scband reference (transcript-rebuilt; emitter-appended) ---
"""Pipeline reference for scband-force-output-from-edge-parallel-61168924229784 (READ-ONLY COPY).

The authoritative reference and input builder live on the scoring server;
editing this copy changes nothing except your own understanding.
"""

import jax, jax.numpy as jnp
import numpy as np

N_NODES = 100000   # tot_num = len(node_feature) + len(node_feature_ghost), no ghosts
N_EDGES = 6400000  # n_nodes * avg_degree (100000 * 64)


def setup_inputs(seed: int = 0) -> dict:
    key = jax.random.key(seed)
    k1, k2, k3 = jax.random.split(key, 3)
    edge_vec = jax.random.normal(k1, (N_EDGES, 3), dtype=jnp.float32)
    edge_idx = jax.random.randint(k2, (2, N_EDGES), 0, N_NODES, dtype=jnp.int32)
    # Surrogate differentiable energy parameterization: energy depends on edge_vec
    # (in the original, the autograd graph linking energy to edge_vec is built upstream).
    energy_coeff = jax.random.normal(k3, (3,), dtype=jnp.float32)
    return {"edge_vec": edge_vec, "edge_idx": edge_idx, "energy_coeff": energy_coeff}


def reference(edge_vec, edge_idx, energy_coeff):
    # energy = sum_e sum_j c_j * edge_vec[e, j]^2  (stand-in for upstream energy head)
    def energy_fn(ev):
        return jnp.sum((ev * ev) * energy_coeff)

    # dE_dr = torch.autograd.grad(energy, edge_vec)
    dE_dr = jax.grad(energy_fn)(edge_vec)

    # force = scatter(dE_dr, edge_idx[0], dim_size=tot_num) - scatter(dE_dr, edge_idx[1], dim_size=tot_num)
    force = jax.ops.segment_sum(dE_dr, edge_idx[0], num_segments=N_NODES)
    force = force - jax.ops.segment_sum(dE_dr, edge_idx[1], num_segments=N_NODES)
    return force

if __name__ == "__main__":
    import jax
    _d = setup_inputs()
    print(jax.jit(kernel)(*tuple(_d.values())))

</pallas_src>

<mosaic_0001>
#map = affine_map<(d0, d1) -> (0)>
#map1 = affine_map<(d0, d1) -> (0, 0)>
#map2 = affine_map<(d0, d1) -> (0, 0, 0)>
module attributes {stable_mosaic.version = 14 : i64} {
  func.func @_sc_body(%arg0: i32, %arg1: i32, %arg2: memref<6400000xf32, #tpu.memory_space<hbm>>, %arg3: memref<6400000xf32, #tpu.memory_space<hbm>>, %arg4: memref<6400000xf32, #tpu.memory_space<hbm>>, %arg5: memref<100000x128xi32, #tpu.memory_space<hbm>>, %arg6: memref<100096x8xf32, #tpu.memory_space<hbm>>, %arg7: memref<2x100096x8xf32, #tpu.memory_space<hbm>>, %arg8: memref<2x100096x8xf32, #tpu.memory_space<hbm>>, %arg9: memref<1024x8xf32, #tpu.memory_space<vmem>>, %arg10: memref<1024xf32, #tpu.memory_space<vmem>>, %arg11: memref<1024xf32, #tpu.memory_space<vmem>>, %arg12: memref<1024xf32, #tpu.memory_space<vmem>>, %arg13: memref<16x128xi32, #tpu.memory_space<vmem>>, %arg14: memref<100096x8xf32, #tpu.memory_space<vmem_shared>>, %arg15: memref<100096x8xf32, #tpu.memory_space<vmem_shared>>, %arg16: memref<!tpu.dma_semaphore, #tpu.memory_space<semaphore_mem>>, %arg17: memref<!tpu.dma_semaphore, #tpu.memory_space<semaphore_mem>>, %arg18: memref<!tpu.dma_semaphore, #tpu.memory_space<semaphore_mem>>) attributes {dimension_semantics = [#tpu.dimension_semantics<core_parallel>, #tpu.dimension_semantics<subcore_parallel>], iteration_bounds = array<i64: 2, 16>, scalar_prefetch = 0 : i64, scratch_operands = 10 : i64, tpu.core_type = #tpu.core_type<sc_vector_subcore>, window_params = [{transform_indices = #map}, {transform_indices = #map}, {transform_indices = #map}, {transform_indices = #map1}, {transform_indices = #map1}, {transform_indices = #map2}, {transform_indices = #map2}]} {
    %mul3A = arith.constant 2 : i32
    %mul3A_0 = arith.muli %arg1, %mul3A : i32
    %add3A = arith.addi %mul3A_0, %arg0 : i32
    %mul3A_1 = arith.constant 6256 : i32
    %mul3A_2 = arith.muli %arg1, %mul3A_1 : i32
    %multiple_of3A = tpu.assume_multiple %mul3A_2, 8 : i32
    "tpu.region"() ({
      %run_scoped3A = tpu.sem_alloc : memref<!tpu.dma_semaphore, #tpu.memory_space<semaphore_mem>>
      %dma_start3A = arith.constant 0 : i32
      %dma_start3A_11 = tpu.memref_slice %arg14[%multiple_of3A, %dma_start3A] : memref<100096x8xf32, #tpu.memory_space<vmem_shared>> -> memref<6256x8xf32, #tpu.memory_space<vmem_shared>>
      %dma_start3A_12 = arith.constant 0 : i32
      %dma_start3A_13 = tpu.memref_slice %arg6[%multiple_of3A, %dma_start3A_12] : memref<100096x8xf32, #tpu.memory_space<hbm>> -> memref<6256x8xf32, #tpu.memory_space<hbm>>
      tpu.enqueue_dma source(%dma_start3A_13 : memref<6256x8xf32, #tpu.memory_space<hbm>>) target(%dma_start3A_11 : memref<6256x8xf32, #tpu.memory_space<vmem_shared>>) target_semaphore(%run_scoped3A : memref<!tpu.dma_semaphore, #tpu.memory_space<semaphore_mem>>)
      %dma_wait3A = arith.constant 0 : i32
      %dma_wait3A_14 = tpu.memref_slice %arg14[%multiple_of3A, %dma_wait3A] : memref<100096x8xf32, #tpu.memory_space<vmem_shared>> -> memref<6256x8xf32, #tpu.memory_space<vmem_shared>>
      %dma_wait3A_15 = arith.constant 0 : i32
      %dma_wait3A_16 = tpu.memref_slice %arg6[%multiple_of3A, %dma_wait3A_15] : memref<100096x8xf32, #tpu.memory_space<hbm>> -> memref<6256x8xf32, #tpu.memory_space<hbm>>
      tpu.wait_dma2 semaphore(%run_scoped3A : memref<!tpu.dma_semaphore, #tpu.memory_space<semaphore_mem>>) src(%dma_wait3A_16 : memref<6256x8xf32, #tpu.memory_space<hbm>>) dst(%dma_wait3A_14 : memref<6256x8xf32, #tpu.memory_space<vmem_shared>>)
      tpu.yield
    }) : () -> ()
    "tpu.region"() ({
      %run_scoped3A = tpu.sem_alloc : memref<!tpu.dma_semaphore, #tpu.memory_space<semaphore_mem>>
      %dma_start3A = arith.constant 0 : i32
      %dma_start3A_11 = tpu.memref_slice %arg15[%multiple_of3A, %dma_start3A] : memref<100096x8xf32, #tpu.memory_space<vmem_shared>> -> memref<6256x8xf32, #tpu.memory_space<vmem_shared>>
      %dma_start3A_12 = arith.constant 0 : i32
      %dma_start3A_13 = tpu.memref_slice %arg6[%multiple_of3A, %dma_start3A_12] : memref<100096x8xf32, #tpu.memory_space<hbm>> -> memref<6256x8xf32, #tpu.memory_space<hbm>>
      tpu.enqueue_dma source(%dma_start3A_13 : memref<6256x8xf32, #tpu.memory_space<hbm>>) target(%dma_start3A_11 : memref<6256x8xf32, #tpu.memory_space<vmem_shared>>) target_semaphore(%run_scoped3A : memref<!tpu.dma_semaphore, #tpu.memory_space<semaphore_mem>>)
      %dma_wait3A = arith.constant 0 : i32
      %dma_wait3A_14 = tpu.memref_slice %arg15[%multiple_of3A, %dma_wait3A] : memref<100096x8xf32, #tpu.memory_space<vmem_shared>> -> memref<6256x8xf32, #tpu.memory_space<vmem_shared>>
      %dma_wait3A_15 = arith.constant 0 : i32
      %dma_wait3A_16 = tpu.memref_slice %arg6[%multiple_of3A, %dma_wait3A_15] : memref<100096x8xf32, #tpu.memory_space<hbm>> -> memref<6256x8xf32, #tpu.memory_space<hbm>>
      tpu.wait_dma2 semaphore(%run_scoped3A : memref<!tpu.dma_semaphore, #tpu.memory_space<semaphore_mem>>) src(%dma_wait3A_16 : memref<6256x8xf32, #tpu.memory_space<hbm>>) dst(%dma_wait3A_14 : memref<6256x8xf32, #tpu.memory_space<vmem_shared>>)
      tpu.yield
    }) : () -> ()
    %barrier3A = arith.constant 0 : index
    tpu.barrier barrier_id(%barrier3A)
    %lt3A = arith.constant 6250 : i32
    %lt3A_3 = arith.cmpi slt, %add3A, %lt3A : i32
    %convert_element_type3A = arith.extui %lt3A_3 : i1 to i32
    %cond3A = arith.constant 0 : i32
    %cond3A_4 = arith.cmpi ne, %convert_element_type3A, %cond3A : i32
    scf.if %cond3A_4 {
      %mul3A_11 = arith.constant 1024 : i32
      %mul3A_12 = arith.muli %add3A, %mul3A_11 : i32
      %multiple_of3A_13 = tpu.assume_multiple %mul3A_12, 8 : i32
      %dma_start3A = tpu.memref_slice %arg2[%multiple_of3A_13] : memref<6400000xf32, #tpu.memory_space<hbm>> -> memref<1024xf32, #tpu.memory_space<hbm>>
      %dma_start3A_14 = tpu.memref_slice %arg2[%multiple_of3A_13] : memref<6400000xf32, #tpu.memory_space<hbm>> -> memref<1024xf32, #tpu.memory_space<hbm>>
      tpu.enqueue_dma source(%dma_start3A_14 : memref<1024xf32, #tpu.memory_space<hbm>>) target(%arg10 : memref<1024xf32, #tpu.memory_space<vmem>>) target_semaphore(%arg16 : memref<!tpu.dma_semaphore, #tpu.memory_space<semaphore_mem>>)
      %dma_start3A_15 = tpu.memref_slice %arg3[%multiple_of3A_13] : memref<6400000xf32, #tpu.memory_space<hbm>> -> memref<1024xf32, #tpu.memory_space<hbm>>
      %dma_start3A_16 = tpu.memref_slice %arg3[%multiple_of3A_13] : memref<6400000xf32, #tpu.memory_space<hbm>> -> memref<1024xf32, #tpu.memory_space<hbm>>
      tpu.enqueue_dma source(%dma_start3A_16 : memref<1024xf32, #tpu.memory_space<hbm>>) target(%arg11 : memref<1024xf32, #tpu.memory_space<vmem>>) target_semaphore(%arg16 : memref<!tpu.dma_semaphore, #tpu.memory_space<semaphore_mem>>)
      %dma_start3A_17 = tpu.memref_slice %arg4[%multiple_of3A_13] : memref<6400000xf32, #tpu.memory_space<hbm>> -> memref<1024xf32, #tpu.memory_space<hbm>>
      %dma_start3A_18 = tpu.memref_slice %arg4[%multiple_of3A_13] : memref<6400000xf32, #tpu.memory_space<hbm>> -> memref<1024xf32, #tpu.memory_space<hbm>>
      tpu.enqueue_dma source(%dma_start3A_18 : memref<1024xf32, #tpu.memory_space<hbm>>) target(%arg12 : memref<1024xf32, #tpu.memory_space<vmem>>) target_semaphore(%arg16 : memref<!tpu.dma_semaphore, #tpu.memory_space<semaphore_mem>>)
    } else {
    }
    %scan3A = arith.constant 0 : i32
    %scan3A_5 = arith.constant 0 : i32
    %scan3A_6 = arith.constant 196 : i32
    %scan3A_7 = arith.addi %scan3A_5, %scan3A_6 : i32
    %scan3A_8 = arith.constant 1 : i32
    scf.for %scan3A_11 = %scan3A_5 to %scan3A_7 step %scan3A_8  : i32 {
      %mul3A_12 = arith.constant 32 : i32
      %mul3A_13 = arith.muli %mul3A_12, %scan3A_11 : i32
      %add3A_14 = arith.addi %add3A, %mul3A_13 : i32
      %lt3A_15 = arith.constant 6250 : i32
      %lt3A_16 = arith.cmpi slt, %add3A_14, %lt3A_15 : i32
      %convert_element_type3A_17 = arith.extui %lt3A_16 : i1 to i32
      %cond3A_18 = arith.constant 0 : i32
      %cond3A_19 = arith.cmpi ne, %convert_element_type3A_17, %cond3A_18 : i32
      scf.if %cond3A_19 {
        %mul3A_20 = arith.constant 2 : i32
        %mul3A_21 = arith.muli %add3A_14, %mul3A_20 : i32
        %mul3A_22 = arith.constant 8 : i32
        %mul3A_23 = arith.muli %mul3A_21, %mul3A_22 : i32
        %multiple_of3A_24 = tpu.assume_multiple %mul3A_23, 16 : i32
        %dma_start3A = arith.constant 0 : i32
        %dma_start3A_25 = tpu.memref_slice %arg5[%multiple_of3A_24, %dma_start3A] : memref<100000x128xi32, #tpu.memory_space<hbm>> -> memref<16x128xi32, #tpu.memory_space<hbm>>
        %dma_start3A_26 = arith.constant 0 : i32
        %dma_start3A_27 = tpu.memref_slice %arg5[%multiple_of3A_24, %dma_start3A_26] : memref<100000x128xi32, #tpu.memory_space<hbm>> -> memref<16x128xi32, #tpu.memory_space<hbm>>
        tpu.enqueue_dma source(%dma_start3A_27 : memref<16x128xi32, #tpu.memory_space<hbm>>) target(%arg13 : memref<16x128xi32, #tpu.memory_space<vmem>>) target_semaphore(%arg17 : memref<!tpu.dma_semaphore, #tpu.memory_space<semaphore_mem>>)
        %dma_wait3A = arith.constant 0 : i32
        %dma_wait3A_28 = tpu.memref_slice %arg2[%dma_wait3A] : memref<6400000xf32, #tpu.memory_space<hbm>> -> memref<1024xf32, #tpu.memory_space<hbm>>
        %dma_wait3A_29 = arith.constant 0 : i32
        %dma_wait3A_30 = tpu.memref_slice %arg2[%dma_wait3A_29] : memref<6400000xf32, #tpu.memory_space<hbm>> -> memref<1024xf32, #tpu.memory_space<hbm>>
        tpu.wait_dma2 semaphore(%arg16 : memref<!tpu.dma_semaphore, #tpu.memory_space<semaphore_mem>>) src(%dma_wait3A_30 : memref<1024xf32, #tpu.memory_space<hbm>>) dst(%arg10 : memref<1024xf32, #tpu.memory_space<vmem>>)
        %dma_wait3A_31 = arith.constant 0 : i32
        %dma_wait3A_32 = tpu.memref_slice %arg2[%dma_wait3A_31] : memref<6400000xf32, #tpu.memory_space<hbm>> -> memref<1024xf32, #tpu.memory_space<hbm>>
        %dma_wait3A_33 = arith.constant 0 : i32
        %dma_wait3A_34 = tpu.memref_slice %arg2[%dma_wait3A_33] : memref<6400000xf32, #tpu.memory_space<hbm>> -> memref<1024xf32, #tpu.memory_space<hbm>>
        tpu.wait_dma2 semaphore(%arg16 : memref<!tpu.dma_semaphore, #tpu.memory_space<semaphore_mem>>) src(%dma_wait3A_34 : memref<1024xf32, #tpu.memory_space<hbm>>) dst(%arg11 : memref<1024xf32, #tpu.memory_space<vmem>>)
        %dma_wait3A_35 = arith.constant 0 : i32
        %dma_wait3A_36 = tpu.memref_slice %arg2[%dma_wait3A_35] : memref<6400000xf32, #tpu.memory_space<hbm>> -> memref<1024xf32, #tpu.memory_space<hbm>>
        %dma_wait3A_37 = arith.constant 0 : i32
        %dma_wait3A_38 = tpu.memref_slice %arg2[%dma_wait3A_37] : memref<6400000xf32, #tpu.memory_space<hbm>> -> memref<1024xf32, #tpu.memory_space<hbm>>
        tpu.wait_dma2 semaphore(%arg16 : memref<!tpu.dma_semaphore, #tpu.memory_space<semaphore_mem>>) src(%dma_wait3A_38 : memref<1024xf32, #tpu.memory_space<hbm>>) dst(%arg12 : memref<1024xf32, #tpu.memory_space<vmem>>)
        %iota3A = tpu.iota {dimensions = array<i32: 0>} : vector<16xi32>
        %broadcast_in_dim3A = arith.constant 0 : i32
        %broadcast_in_dim3A_39 = vector.broadcast %broadcast_in_dim3A : i32 to vector<16xi32>
        %broadcast_in_dim3A_40 = arith.constant 1 : i32
        %broadcast_in_dim3A_41 = vector.broadcast %broadcast_in_dim3A_40 : i32 to vector<16xi32>
        %broadcast_in_dim3A_42 = arith.constant 2 : i32
        %broadcast_in_dim3A_43 = vector.broadcast %broadcast_in_dim3A_42 : i32 to vector<16xi32>
        %scan3A_44 = arith.constant 0 : i32
        %scan3A_45 = arith.constant 0 : i32
        %scan3A_46 = arith.constant 64 : i32
        %scan3A_47 = arith.addi %scan3A_45, %scan3A_46 : i32
        %scan3A_48 = arith.constant 4 : i32
        scf.for %scan3A_381 = %scan3A_45 to %scan3A_47 step %scan3A_48  : i32 {
          %mul3A_382 = arith.constant 16 : i32
          %mul3A_383 = arith.muli %scan3A_381, %mul3A_382 : i32
          %add3A_384 = vector.broadcast %mul3A_383 : i32 to vector<16xi32>
          %add3A_385 = arith.addi %add3A_384, %iota3A : vector<16xi32>
          %mul3A_386 = arith.constant 16 : i32
          %mul3A_387 = arith.muli %scan3A_381, %mul3A_386 : i32
          %get3A = arith.index_cast %mul3A_387 : i32 to index
          %get3A_388 = tpu.vector_load %arg10[%get3A] {strides = array<i32>} : memref<1024xf32, #tpu.memory_space<vmem>>, vector<16xf32>,
          tpu.vector_store_idx %arg9[%add3A_385, %broadcast_in_dim3A_39], %get3A_388 : memref<1024x8xf32, #tpu.memory_space<vmem>>[vector<16xi32>, vector<16xi32>], vector<16xf32>,
          %mul3A_389 = arith.constant 16 : i32
          %mul3A_390 = arith.muli %scan3A_381, %mul3A_389 : i32
          %get3A_391 = arith.index_cast %mul3A_390 : i32 to index
          %get3A_392 = tpu.vector_load %arg11[%get3A_391] {strides = array<i32>} : memref<1024xf32, #tpu.memory_space<vmem>>, vector<16xf32>,
          tpu.vector_store_idx %arg9[%add3A_385, %broadcast_in_dim3A_41], %get3A_392 : memref<1024x8xf32, #tpu.memory_space<vmem>>[vector<16xi32>, vector<16xi32>], vector<16xf32>,
          %mul3A_393 = arith.constant 16 : i32
          %mul3A_394 = arith.muli %scan3A_381, %mul3A_393 : i32
          %get3A_395 = arith.index_cast %mul3A_394 : i32 to index
          %get3A_396 = tpu.vector_load %arg12[%get3A_395] {strides = array<i32>} : memref<1024xf32, #tpu.memory_space<vmem>>, vector<16xf32>,
          tpu.vector_store_idx %arg9[%add3A_385, %broadcast_in_dim3A_43], %get3A_396 : memref<1024x8xf32, #tpu.memory_space<vmem>>[vector<16xi32>, vector<16xi32>], vector<16xf32>,
          %scan3A_397 = arith.constant 1 : i32
          %scan3A_398 = arith.addi %scan3A_381, %scan3A_397 : i32
          %mul3A_399 = arith.constant 16 : i32
          %mul3A_400 = arith.muli %scan3A_398, %mul3A_399 : i32
          %add3A_401 = vector.broadcast %mul3A_400 : i32 to vector<16xi32>
          %add3A_402 = arith.addi %add3A_401, %iota3A : vector<16xi32>
          %mul3A_403 = arith.constant 16 : i32
          %mul3A_404 = arith.muli %scan3A_398, %mul3A_403 : i32
          %get3A_405 = arith.index_cast %mul3A_404 : i32 to index
          %get3A_406 = tpu.vector_load %arg10[%get3A_405] {strides = array<i32>} : memref<1024xf32, #tpu.memory_space<vmem>>, vector<16xf32>,
          tpu.vector_store_idx %arg9[%add3A_402, %broadcast_in_dim3A_39], %get3A_406 : memref<1024x8xf32, #tpu.memory_space<vmem>>[vector<16xi32>, vector<16xi32>], vector<16xf32>,
          %mul3A_407 = arith.constant 16 : i32
          %mul3A_408 = arith.muli %scan3A_398, %mul3A_407 : i32
          %get3A_409 = arith.index_cast %mul3A_408 : i32 to index
          %get3A_410 = tpu.vector_load %arg11[%get3A_409] {strides = array<i32>} : memref<1024xf32, #tpu.memory_space<vmem>>, vector<16xf32>,
          tpu.vector_store_idx %arg9[%add3A_402, %broadcast_in_dim3A_41], %get3A_410 : memref<1024x8xf32, #tpu.memory_space<vmem>>[vector<16xi32>, vector<16xi32>], vector<16xf32>,
          %mul3A_411 = arith.constant 16 : i32
          %mul3A_412 = arith.muli %scan3A_398, %mul3A_411 : i32
          %get3A_413 = arith.index_cast %mul3A_412 : i32 to index
          %get3A_414 = tpu.vector_load %arg12[%get3A_413] {strides = array<i32>} : memref<1024xf32, #tpu.memory_space<vmem>>, vector<16xf32>,
          tpu.vector_store_idx %arg9[%add3A_402, %broadcast_in_dim3A_43], %get3A_414 : memref<1024x8xf32, #tpu.memory_space<vmem>>[vector<16xi32>, vector<16xi32>], vector<16xf32>,
          %scan3A_415 = arith.constant 2 : i32
          %scan3A_416 = arith.addi %scan3A_381, %scan3A_415 : i32
          %mul3A_417 = arith.constant 16 : i32
          %mul3A_418 = arith.muli %scan3A_416, %mul3A_417 : i32
          %add3A_419 = vector.broadcast %mul3A_418 : i32 to vector<16xi32>
          %add3A_420 = arith.addi %add3A_419, %iota3A : vector<16xi32>
          %mul3A_421 = arith.constant 16 : i32
          %mul3A_422 = arith.muli %scan3A_416, %mul3A_421 : i32
          %get3A_423 = arith.index_cast %mul3A_422 : i32 to index
          %get3A_424 = tpu.vector_load %arg10[%get3A_423] {strides = array<i32>} : memref<1024xf32, #tpu.memory_space<vmem>>, vector<16xf32>,
          tpu.vector_store_idx %arg9[%add3A_420, %broadcast_in_dim3A_39], %get3A_424 : memref<1024x8xf32, #tpu.memory_space<vmem>>[vector<16xi32>, vector<16xi32>], vector<16xf32>,
          %mul3A_425 = arith.constant 16 : i32
          %mul3A_426 = arith.muli %scan3A_416, %mul3A_425 : i32
          %get3A_427 = arith.index_cast %mul3A_426 : i32 to index
          %get3A_428 = tpu.vector_load %arg11[%get3A_427] {strides = array<i32>} : memref<1024xf32, #tpu.memory_space<vmem>>, vector<16xf32>,
          tpu.vector_store_idx %arg9[%add3A_420, %broadcast_in_dim3A_41], %get3A_428 : memref<1024x8xf32, #tpu.memory_space<vmem>>[vector<16xi32>, vector<16xi32>], vector<16xf32>,
          %mul3A_429 = arith.constant 16 : i32
          %mul3A_430 = arith.muli %scan3A_416, %mul3A_429 : i32
          %get3A_431 = arith.index_cast %mul3A_430 : i32 to index
          %get3A_432 = tpu.vector_load %arg12[%get3A_431] {strides = array<i32>} : memref<1024xf32, #tpu.memory_space<vmem>>, vector<16xf32>,
          tpu.vector_store_idx %arg9[%add3A_420, %broadcast_in_dim3A_43], %get3A_432 : memref<1024x8xf32, #tpu.memory_space<vmem>>[vector<16xi32>, vector<16xi32>], vector<16xf32>,
          %scan3A_433 = arith.constant 3 : i32
          %scan3A_434 = arith.addi %scan3A_381, %scan3A_433 : i32
          %mul3A_435 = arith.constant 16 : i32
          %mul3A_436 = arith.muli %scan3A_434, %mul3A_435 : i32
          %add3A_437 = vector.broadcast %mul3A_436 : i32 to vector<16xi32>
          %add3A_438 = arith.addi %add3A_437, %iota3A : vector<16xi32>
          %mul3A_439 = arith.constant 16 : i32
          %mul3A_440 = arith.muli %scan3A_434, %mul3A_439 : i32
          %get3A_441 = arith.index_cast %mul3A_440 : i32 to index
          %get3A_442 = tpu.vector_load %arg10[%get3A_441] {strides = array<i32>} : memref<1024xf32, #tpu.memory_space<vmem>>, vector<16xf32>,
          tpu.vector_store_idx %arg9[%add3A_438, %broadcast_in_dim3A_39], %get3A_442 : memref<1024x8xf32, #tpu.memory_space<vmem>>[vector<16xi32>, vector<16xi32>], vector<16xf32>,
          %mul3A_443 = arith.constant 16 : i32
          %mul3A_444 = arith.muli %scan3A_434, %mul3A_443 : i32
          %get3A_445 = arith.index_cast %mul3A_444 : i32 to index
          %get3A_446 = tpu.vector_load %arg11[%get3A_445] {strides = array<i32>} : memref<1024xf32, #tpu.memory_space<vmem>>, vector<16xf32>,
          tpu.vector_store_idx %arg9[%add3A_438, %broadcast_in_dim3A_41], %get3A_446 : memref<1024x8xf32, #tpu.memory_space<vmem>>[vector<16xi32>, vector<16xi32>], vector<16xf32>,
          %mul3A_447 = arith.constant 16 : i32
          %mul3A_448 = arith.muli %scan3A_434, %mul3A_447 : i32
          %get3A_449 = arith.index_cast %mul3A_448 : i32 to index
          %get3A_450 = tpu.vector_load %arg12[%get3A_449] {strides = array<i32>} : memref<1024xf32, #tpu.memory_space<vmem>>, vector<16xf32>,
          tpu.vector_store_idx %arg9[%add3A_438, %broadcast_in_dim3A_43], %get3A_450 : memref<1024x8xf32, #tpu.memory_space<vmem>>[vector<16xi32>, vector<16xi32>], vector<16xf32>,
        }
        %scan3A_49 = arith.constant 64 : i32
        %dma_wait3A_50 = arith.constant 0 : i32
        %dma_wait3A_51 = tpu.memref_slice %arg5[%multiple_of3A_24, %dma_wait3A_50] : memref<100000x128xi32, #tpu.memory_space<hbm>> -> memref<16x128xi32, #tpu.memory_space<hbm>>
        %dma_wait3A_52 = arith.constant 0 : i32
        %dma_wait3A_53 = tpu.memref_slice %arg5[%multiple_of3A_24, %dma_wait3A_52] : memref<100000x128xi32, #tpu.memory_space<hbm>> -> memref<16x128xi32, #tpu.memory_space<hbm>>
        tpu.wait_dma2 semaphore(%arg17 : memref<!tpu.dma_semaphore, #tpu.memory_space<semaphore_mem>>) src(%dma_wait3A_53 : memref<16x128xi32, #tpu.memory_space<hbm>>) dst(%arg13 : memref<16x128xi32, #tpu.memory_space<vmem>>)
        %dma_start3A_54 = arith.constant 0 : i32
        %dma_start3A_55 = arith.constant 0 : i32
        %dma_start3A_56 = arith.constant 0 : i32
        %dma_start3A_57 = tpu.memref_slice %arg9[%dma_start3A_55, %dma_start3A_56] : memref<1024x8xf32, #tpu.memory_space<vmem>> -> memref<128x8xf32, #tpu.memory_space<vmem>>
        %dma_start3A_58 = arith.constant 0 : i32
        %dma_start3A_59 = tpu.memref_slice %arg13[%dma_start3A_54, %dma_start3A_58] : memref<16x128xi32, #tpu.memory_space<vmem>> -> memref<1x128xi32, #tpu.memory_space<vmem>>
        %dma_start3A_60 = tpu.memref_squeeze %dma_start3A_59 : memref<1x128xi32, #tpu.memory_space<vmem>> -> memref<128xi32, #tpu.memory_space<vmem>>
        %dma_start3A_61 = arith.constant 0 : i32
        %dma_start3A_62 = arith.constant 0 : i32
        %dma_start3A_63 = tpu.memref_slice %arg14[%dma_start3A_61, %dma_start3A_62] : memref<100096x8xf32, #tpu.memory_space<vmem_shared>> -> memref<100096x8xf32, #tpu.memory_space<vmem_shared>>
        tpu.enqueue_indirect_dma source(%dma_start3A_57 : memref<128x8xf32, #tpu.memory_space<vmem>>) target(%dma_start3A_63 : memref<100096x8xf32, #tpu.memory_space<vmem_shared>>) offsets(%dma_start3A_60 : memref<128xi32, #tpu.memory_space<vmem>>) semaphore(%arg18 : memref<!tpu.dma_semaphore, #tpu.memory_space<semaphore_mem>>) {add = true}
        %dma_start3A_64 = arith.constant 1 : i32
        %dma_start3A_65 = arith.constant 0 : i32
        %dma_start3A_66 = arith.constant 0 : i32
        %dma_start3A_67 = tpu.memref_slice %arg9[%dma_start3A_65, %dma_start3A_66] : memref<1024x8xf32, #tpu.memory_space<vmem>> -> memref<128x8xf32, #tpu.memory_space<vmem>>
        %dma_start3A_68 = arith.constant 0 : i32
        %dma_start3A_69 = tpu.memref_slice %arg13[%dma_start3A_64, %dma_start3A_68] : memref<16x128xi32, #tpu.memory_space<vmem>> -> memref<1x128xi32, #tpu.memory_space<vmem>>
        %dma_start3A_70 = tpu.memref_squeeze %dma_start3A_69 : memref<1x128xi32, #tpu.memory_space<vmem>> -> memref<128xi32, #tpu.memory_space<vmem>>
        %dma_start3A_71 = arith.constant 0 : i32
        %dma_start3A_72 = arith.constant 0 : i32
        %dma_start3A_73 = tpu.memref_slice %arg15[%dma_start3A_71, %dma_start3A_72] : memref<100096x8xf32, #tpu.memory_space<vmem_shared>> -> memref<100096x8xf32, #tpu.memory_space<vmem_shared>>
        tpu.enqueue_indirect_dma source(%dma_start3A_67 : memref<128x8xf32, #tpu.memory_space<vmem>>) target(%dma_start3A_73 : memref<100096x8xf32, #tpu.memory_space<vmem_shared>>) offsets(%dma_start3A_70 : memref<128xi32, #tpu.memory_space<vmem>>) semaphore(%arg18 : memref<!tpu.dma_semaphore, #tpu.memory_space<semaphore_mem>>) {add = true}
        %dma_start3A_74 = arith.constant 2 : i32
        %dma_start3A_75 = arith.constant 128 : i32
        %dma_start3A_76 = arith.constant 0 : i32
        %dma_start3A_77 = tpu.memref_slice %arg9[%dma_start3A_75, %dma_start3A_76] : memref<1024x8xf32, #tpu.memory_space<vmem>> -> memref<128x8xf32, #tpu.memory_space<vmem>>
        %dma_start3A_78 = arith.constant 0 : i32
        %dma_start3A_79 = tpu.memref_slice %arg13[%dma_start3A_74, %dma_start3A_78] : memref<16x128xi32, #tpu.memory_space<vmem>> -> memref<1x128xi32, #tpu.memory_space<vmem>>
        %dma_start3A_80 = tpu.memref_squeeze %dma_start3A_79 : memref<1x128xi32, #tpu.memory_space<vmem>> -> memref<128xi32, #tpu.memory_space<vmem>>
        %dma_start3A_81 = arith.constant 0 : i32
        %dma_start3A_82 = arith.constant 0 : i32
        %dma_start3A_83 = tpu.memref_slice %arg14[%dma_start3A_81, %dma_start3A_82] : memref<100096x8xf32, #tpu.memory_space<vmem_shared>> -> memref<100096x8xf32, #tpu.memory_space<vmem_shared>>
        tpu.enqueue_indirect_dma source(%dma_start3A_77 : memref<128x8xf32, #tpu.memory_space<vmem>>) target(%dma_start3A_83 : memref<100096x8xf32, #tpu.memory_space<vmem_shared>>) offsets(%dma_start3A_80 : memref<128xi32, #tpu.memory_space<vmem>>) semaphore(%arg18 : memref<!tpu.dma_semaphore, #tpu.memory_space<semaphore_mem>>) {add = true}
        %dma_start3A_84 = arith.constant 3 : i32
        %dma_start3A_85 = arith.constant 128 : i32
        %dma_start3A_86 = arith.constant 0 : i32
        %dma_start3A_87 = tpu.memref_slice %arg9[%dma_start3A_85, %dma_start3A_86] : memref<1024x8xf32, #tpu.memory_space<vmem>> -> memref<128x8xf32, #tpu.memory_space<vmem>>
        %dma_start3A_88 = arith.constant 0 : i32
        %dma_start3A_89 = tpu.memref_slice %arg13[%dma_start3A_84, %dma_start3A_88] : memref<16x128xi32, #tpu.memory_space<vmem>> -> memref<1x128xi32, #tpu.memory_space<vmem>>
        %dma_start3A_90 = tpu.memref_squeeze %dma_start3A_89 : memref<1x128xi32, #tpu.memory_space<vmem>> -> memref<128xi32, #tpu.memory_space<vmem>>
        %dma_start3A_91 = arith.constant 0 : i32
        %dma_start3A_92 = arith.constant 0 : i32
        %dma_start3A_93 = tpu.memref_slice %arg15[%dma_start3A_91, %dma_start3A_92] : memref<100096x8xf32, #tpu.memory_space<vmem_shared>> -> memref<100096x8xf32, #tpu.memory_space<vmem_shared>>
        tpu.enqueue_indirect_dma source(%dma_start3A_87 : memref<128x8xf32, #tpu.memory_space<vmem>>) target(%dma_start3A_93 : memref<100096x8xf32, #tpu.memory_space<vmem_shared>>) offsets(%dma_start3A_90 : memref<128xi32, #tpu.memory_space<vmem>>) semaphore(%arg18 : memref<!tpu.dma_semaphore, #tpu.memory_space<semaphore_mem>>) {add = true}
        %dma_start3A_94 = arith.constant 4 : i32
        %dma_start3A_95 = arith.constant 256 : i32
        %dma_start3A_96 = arith.constant 0 : i32
        %dma_start3A_97 = tpu.memref_slice %arg9[%dma_start3A_95, %dma_start3A_96] : memref<1024x8xf32, #tpu.memory_space<vmem>> -> memref<128x8xf32, #tpu.memory_space<vmem>>
        %dma_start3A_98 = arith.constant 0 : i32
        %dma_start3A_99 = tpu.memref_slice %arg13[%dma_start3A_94, %dma_start3A_98] : memref<16x128xi32, #tpu.memory_space<vmem>> -> memref<1x128xi32, #tpu.memory_space<vmem>>
        %dma_start3A_100 = tpu.memref_squeeze %dma_start3A_99 : memref<1x128xi32, #tpu.memory_space<vmem>> -> memref<128xi32, #tpu.memory_space<vmem>>
        %dma_start3A_101 = arith.constant 0 : i32
        %dma_start3A_102 = arith.constant 0 : i32
        %dma_start3A_103 = tpu.memref_slice %arg14[%dma_start3A_101, %dma_start3A_102] : memref<100096x8xf32, #tpu.memory_space<vmem_shared>> -> memref<100096x8xf32, #tpu.memory_space<vmem_shared>>
        tpu.enqueue_indirect_dma source(%dma_start3A_97 : memref<128x8xf32, #tpu.memory_space<vmem>>) target(%dma_start3A_103 : memref<100096x8xf32, #tpu.memory_space<vmem_shared>>) offsets(%dma_start3A_100 : memref<128xi32, #tpu.memory_space<vmem>>) semaphore(%arg18 : memref<!tpu.dma_semaphore, #tpu.memory_space<semaphore_mem>>) {add = true}
        %dma_start3A_104 = arith.constant 5 : i32
        %dma_start3A_105 = arith.constant 256 : i32
        %dma_start3A_106 = arith.constant 0 : i32
        %dma_start3A_107 = tpu.memref_slice %arg9[%dma_start3A_105, %dma_start3A_106] : memref<1024x8xf32, #tpu.memory_space<vmem>> -> memref<128x8xf32, #tpu.memory_space<vmem>>
        %dma_start3A_108 = arith.constant 0 : i32
        %dma_start3A_109 = tpu.memref_slice %arg13[%dma_start3A_104, %dma_start3A_108] : memref<16x128xi32, #tpu.memory_space<vmem>> -> memref<1x128xi32, #tpu.memory_space<vmem>>
        %dma_start3A_110 = tpu.memref_squeeze %dma_start3A_109 : memref<1x128xi32, #tpu.memory_space<vmem>> -> memref<128xi32, #tpu.memory_space<vmem>>
        %dma_start3A_111 = arith.constant 0 : i32
        %dma_start3A_112 = arith.constant 0 : i32
        %dma_start3A_113 = tpu.memref_slice %arg15[%dma_start3A_111, %dma_start3A_112] : memref<100096x8xf32, #tpu.memory_space<vmem_shared>> -> memref<100096x8xf32, #tpu.memory_space<vmem_shared>>
        tpu.enqueue_indirect_dma source(%dma_start3A_107 : memref<128x8xf32, #tpu.memory_space<vmem>>) target(%dma_start3A_113 : memref<100096x8xf32, #tpu.memory_space<vmem_shared>>) offsets(%dma_start3A_110 : memref<128xi32, #tpu.memory_space<vmem>>) semaphore(%arg18 : memref<!tpu.dma_semaphore, #tpu.memory_space<semaphore_mem>>) {add = true}
        %dma_start3A_114 = arith.constant 6 : i32
        %dma_start3A_115 = arith.constant 384 : i32
        %dma_start3A_116 = arith.constant 0 : i32
        %dma_start3A_117 = tpu.memref_slice %arg9[%dma_start3A_115, %dma_start3A_116] : memref<1024x8xf32, #tpu.memory_space<vmem>> -> memref<128x8xf32, #tpu.memory_space<vmem>>
        %dma_start3A_118 = arith.constant 0 : i32
        %dma_start3A_119 = tpu.memref_slice %arg13[%dma_start3A_114, %dma_start3A_118] : memref<16x128xi32, #tpu.memory_space<vmem>> -> memref<1x128xi32, #tpu.memory_space<vmem>>
        %dma_start3A_120 = tpu.memref_squeeze %dma_start3A_119 : memref<1x128xi32, #tpu.memory_space<vmem>> -> memref<128xi32, #tpu.memory_space<vmem>>
        %dma_start3A_121 = arith.constant 0 : i32
        %dma_start3A_122 = arith.constant 0 : i32
        %dma_start3A_123 = tpu.memref_slice %arg14[%dma_start3A_121, %dma_start3A_122] : memref<100096x8xf32, #tpu.memory_space<vmem_shared>> -> memref<100096x8xf32, #tpu.memory_space<vmem_shared>>
        tpu.enqueue_indirect_dma source(%dma_start3A_117 : memref<128x8xf32, #tpu.memory_space<vmem>>) target(%dma_start3A_123 : memref<100096x8xf32, #tpu.memory_space<vmem_shared>>) offsets(%dma_start3A_120 : memref<128xi32, #tpu.memory_space<vmem>>) semaphore(%arg18 : memref<!tpu.dma_semaphore, #tpu.memory_space<semaphore_mem>>) {add = true}
        %dma_start3A_124 = arith.constant 7 : i32
        %dma_start3A_125 = arith.constant 384 : i32
        %dma_start3A_126 = arith.constant 0 : i32
        %dma_start3A_127 = tpu.memref_slice %arg9[%dma_start3A_125, %dma_start3A_126] : memref<1024x8xf32, #tpu.memory_space<vmem>> -> memref<128x8xf32, #tpu.memory_space<vmem>>
        %dma_start3A_128 = arith.constant 0 : i32
        %dma_start3A_129 = tpu.memref_slice %arg13[%dma_start3A_124, %dma_start3A_128] : memref<16x128xi32, #tpu.memory_space<vmem>> -> memref<1x128xi32, #tpu.memory_space<vmem>>
        %dma_start3A_130 = tpu.memref_squeeze %dma_start3A_129 : memref<1x128xi32, #tpu.memory_space<vmem>> -> memref<128xi32, #tpu.memory_space<vmem>>
        %dma_start3A_131 = arith.constant 0 : i32
        %dma_start3A_132 = arith.constant 0 : i32
        %dma_start3A_133 = tpu.memref_slice %arg15[%dma_start3A_131, %dma_start3A_132] : memref<100096x8xf32, #tpu.memory_space<vmem_shared>> -> memref<100096x8xf32, #tpu.memory_space<vmem_shared>>
        tpu.enqueue_indirect_dma source(%dma_start3A_127 : memref<128x8xf32, #tpu.memory_space<vmem>>) target(%dma_start3A_133 : memref<100096x8xf32, #tpu.memory_space<vmem_shared>>) offsets(%dma_start3A_130 : memref<128xi32, #tpu.memory_space<vmem>>) semaphore(%arg18 : memref<!tpu.dma_semaphore, #tpu.memory_space<semaphore_mem>>) {add = true}
        %dma_start3A_134 = arith.constant 8 : i32
        %dma_start3A_135 = arith.constant 512 : i32
        %dma_start3A_136 = arith.constant 0 : i32
        %dma_start3A_137 = tpu.memref_slice %arg9[%dma_start3A_135, %dma_start3A_136] : memref<1024x8xf32, #tpu.memory_space<vmem>> -> memref<128x8xf32, #tpu.memory_space<vmem>>
        %dma_start3A_138 = arith.constant 0 : i32
        %dma_start3A_139 = tpu.memref_slice %arg13[%dma_start3A_134, %dma_start3A_138] : memref<16x128xi32, #tpu.memory_space<vmem>> -> memref<1x128xi32, #tpu.memory_space<vmem>>
        %dma_start3A_140 = tpu.memref_squeeze %dma_start3A_139 : memref<1x128xi32, #tpu.memory_space<vmem>> -> memref<128xi32, #tpu.memory_space<vmem>>
        %dma_start3A_141 = arith.constant 0 : i32
        %dma_start3A_142 = arith.constant 0 : i32
        %dma_start3A_143 = tpu.memref_slice %arg14[%dma_start3A_141, %dma_start3A_142] : memref<100096x8xf32, #tpu.memory_space<vmem_shared>> -> memref<100096x8xf32, #tpu.memory_space<vmem_shared>>
        tpu.enqueue_indirect_dma source(%dma_start3A_137 : memref<128x8xf32, #tpu.memory_space<vmem>>) target(%dma_start3A_143 : memref<100096x8xf32, #tpu.memory_space<vmem_shared>>) offsets(%dma_start3A_140 : memref<128xi32, #tpu.memory_space<vmem>>) semaphore(%arg18 : memref<!tpu.dma_semaphore, #tpu.memory_space<semaphore_mem>>) {add = true}
        %dma_start3A_144 = arith.constant 9 : i32
        %dma_start3A_145 = arith.constant 512 : i32
        %dma_start3A_146 = arith.constant 0 : i32
        %dma_start3A_147 = tpu.memref_slice %arg9[%dma_start3A_145, %dma_start3A_146] : memref<1024x8xf32, #tpu.memory_space<vmem>> -> memref<128x8xf32, #tpu.memory_space<vmem>>
        %dma_start3A_148 = arith.constant 0 : i32
        %dma_start3A_149 = tpu.memref_slice %arg13[%dma_start3A_144, %dma_start3A_148] : memref<16x128xi32, #tpu.memory_space<vmem>> -> memref<1x128xi32, #tpu.memory_space<vmem>>
        %dma_start3A_150 = tpu.memref_squeeze %dma_start3A_149 : memref<1x128xi32, #tpu.memory_space<vmem>> -> memref<128xi32, #tpu.memory_space<vmem>>
        %dma_start3A_151 = arith.constant 0 : i32
        %dma_start3A_152 = arith.constant 0 : i32
        %dma_start3A_153 = tpu.memref_slice %arg15[%dma_start3A_151, %dma_start3A_152] : memref<100096x8xf32, #tpu.memory_space<vmem_shared>> -> memref<100096x8xf32, #tpu.memory_space<vmem_shared>>
        tpu.enqueue_indirect_dma source(%dma_start3A_147 : memref<128x8xf32, #tpu.memory_space<vmem>>) target(%dma_start3A_153 : memref<100096x8xf32, #tpu.memory_space<vmem_shared>>) offsets(%dma_start3A_150 : memref<128xi32, #tpu.memory_space<vmem>>) semaphore(%arg18 : memref<!tpu.dma_semaphore, #tpu.memory_space<semaphore_mem>>) {add = true}
        %dma_start3A_154 = arith.constant 10 : i32
        %dma_start3A_155 = arith.constant 640 : i32
        %dma_start3A_156 = arith.constant 0 : i32
        %dma_start3A_157 = tpu.memref_slice %arg9[%dma_start3A_155, %dma_start3A_156] : memref<1024x8xf32, #tpu.memory_space<vmem>> -> memref<128x8xf32, #tpu.memory_space<vmem>>
        %dma_start3A_158 = arith.constant 0 : i32
        %dma_start3A_159 = tpu.memref_slice %arg13[%dma_start3A_154, %dma_start3A_158] : memref<16x128xi32, #tpu.memory_space<vmem>> -> memref<1x128xi32, #tpu.memory_space<vmem>>
        %dma_start3A_160 = tpu.memref_squeeze %dma_start3A_159 : memref<1x128xi32, #tpu.memory_space<vmem>> -> memref<128xi32, #tpu.memory_space<vmem>>
        %dma_start3A_161 = arith.constant 0 : i32
        %dma_start3A_162 = arith.constant 0 : i32
        %dma_start3A_163 = tpu.memref_slice %arg14[%dma_start3A_161, %dma_start3A_162] : memref<100096x8xf32, #tpu.memory_space<vmem_shared>> -> memref<100096x8xf32, #tpu.memory_space<vmem_shared>>
        tpu.enqueue_indirect_dma source(%dma_start3A_157 : memref<128x8xf32, #tpu.memory_space<vmem>>) target(%dma_start3A_163 : memref<100096x8xf32, #tpu.memory_space<vmem_shared>>) offsets(%dma_start3A_160 : memref<128xi32, #tpu.memory_space<vmem>>) semaphore(%arg18 : memref<!tpu.dma_semaphore, #tpu.memory_space<semaphore_mem>>) {add = true}
        %dma_start3A_164 = arith.constant 11 : i32
        %dma_start3A_165 = arith.constant 640 : i32
        %dma_start3A_166 = arith.constant 0 : i32
        %dma_start3A_167 = tpu.memref_slice %arg9[%dma_start3A_165, %dma_start3A_166] : memref<1024x8xf32, #tpu.memory_space<vmem>> -> memref<128x8xf32, #tpu.memory_space<vmem>>
        %dma_start3A_168 = arith.constant 0 : i32
        %dma_start3A_169 = tpu.memref_slice %arg13[%dma_start3A_164, %dma_start3A_168] : memref<16x128xi32, #tpu.memory_space<vmem>> -> memref<1x128xi32, #tpu.memory_space<vmem>>
        %dma_start3A_170 = tpu.memref_squeeze %dma_start3A_169 : memref<1x128xi32, #tpu.memory_space<vmem>> -> memref<128xi32, #tpu.memory_space<vmem>>
        %dma_start3A_171 = arith.constant 0 : i32
        %dma_start3A_172 = arith.constant 0 : i32
        %dma_start3A_173 = tpu.memref_slice %arg15[%dma_start3A_171, %dma_start3A_172] : memref<100096x8xf32, #tpu.memory_space<vmem_shared>> -> memref<100096x8xf32, #tpu.memory_space<vmem_shared>>
        tpu.enqueue_indirect_dma source(%dma_start3A_167 : memref<128x8xf32, #tpu.memory_space<vmem>>) target(%dma_start3A_173 : memref<100096x8xf32, #tpu.memory_space<vmem_shared>>) offsets(%dma_start3A_170 : memref<128xi32, #tpu.memory_space<vmem>>) semaphore(%arg18 : memref<!tpu.dma_semaphore, #tpu.memory_space<semaphore_mem>>) {add = true}
        %dma_start3A_174 = arith.constant 12 : i32
        %dma_start3A_175 = arith.constant 768 : i32
        %dma_start3A_176 = arith.constant 0 : i32
        %dma_start3A_177 = tpu.memref_slice %arg9[%dma_start3A_175, %dma_start3A_176] : memref<1024x8xf32, #tpu.memory_space<vmem>> -> memref<128x8xf32, #tpu.memory_space<vmem>>
        %dma_start3A_178 = arith.constant 0 : i32
        %dma_start3A_179 = tpu.memref_slice %arg13[%dma_start3A_174, %dma_start3A_178] : memref<16x128xi32, #tpu.memory_space<vmem>> -> memref<1x128xi32, #tpu.memory_space<vmem>>
        %dma_start3A_180 = tpu.memref_squeeze %dma_start3A_179 : memref<1x128xi32, #tpu.memory_space<vmem>> -> memref<128xi32, #tpu.memory_space<vmem>>
        %dma_start3A_181 = arith.constant 0 : i32
        %dma_start3A_182 = arith.constant 0 : i32
        %dma_start3A_183 = tpu.memref_slice %arg14[%dma_start3A_181, %dma_start3A_182] : memref<100096x8xf32, #tpu.memory_space<vmem_shared>> -> memref<100096x8xf32, #tpu.memory_space<vmem_shared>>
        tpu.enqueue_indirect_dma source(%dma_start3A_177 : memref<128x8xf32, #tpu.memory_space<vmem>>) target(%dma_start3A_183 : memref<100096x8xf32, #tpu.memory_space<vmem_shared>>) offsets(%dma_start3A_180 : memref<128xi32, #tpu.memory_space<vmem>>) semaphore(%arg18 : memref<!tpu.dma_semaphore, #tpu.memory_space<semaphore_mem>>) {add = true}
        %dma_start3A_184 = arith.constant 13 : i32
        %dma_start3A_185 = arith.constant 768 : i32
        %dma_start3A_186 = arith.constant 0 : i32
        %dma_start3A_187 = tpu.memref_slice %arg9[%dma_start3A_185, %dma_start3A_186] : memref<1024x8xf32, #tpu.memory_space<vmem>> -> memref<128x8xf32, #tpu.memory_space<vmem>>
        %dma_start3A_188 = arith.constant 0 : i32
        %dma_start3A_189 = tpu.memref_slice %arg13[%dma_start3A_184, %dma_start3A_188] : memref<16x128xi32, #tpu.memory_space<vmem>> -> memref<1x128xi32, #tpu.memory_space<vmem>>
        %dma_start3A_190 = tpu.memref_squeeze %dma_start3A_189 : memref<1x128xi32, #tpu.memory_space<vmem>> -> memref<128xi32, #tpu.memory_space<vmem>>
        %dma_start3A_191 = arith.constant 0 : i32
        %dma_start3A_192 = arith.constant 0 : i32
        %dma_start3A_193 = tpu.memref_slice %arg15[%dma_start3A_191, %dma_start3A_192] : memref<100096x8xf32, #tpu.memory_space<vmem_shared>> -> memref<100096x8xf32, #tpu.memory_space<vmem_shared>>
        tpu.enqueue_indirect_dma source(%dma_start3A_187 : memref<128x8xf32, #tpu.memory_space<vmem>>) target(%dma_start3A_193 : memref<100096x8xf32, #tpu.memory_space<vmem_shared>>) offsets(%dma_start3A_190 : memref<128xi32, #tpu.memory_space<vmem>>) semaphore(%arg18 : memref<!tpu.dma_semaphore, #tpu.memory_space<semaphore_mem>>) {add = true}
        %dma_start3A_194 = arith.constant 14 : i32
        %dma_start3A_195 = arith.constant 896 : i32
        %dma_start3A_196 = arith.constant 0 : i32
        %dma_start3A_197 = tpu.memref_slice %arg9[%dma_start3A_195, %dma_start3A_196] : memref<1024x8xf32, #tpu.memory_space<vmem>> -> memref<128x8xf32, #tpu.memory_space<vmem>>
        %dma_start3A_198 = arith.constant 0 : i32
        %dma_start3A_199 = tpu.memref_slice %arg13[%dma_start3A_194, %dma_start3A_198] : memref<16x128xi32, #tpu.memory_space<vmem>> -> memref<1x128xi32, #tpu.memory_space<vmem>>
        %dma_start3A_200 = tpu.memref_squeeze %dma_start3A_199 : memref<1x128xi32, #tpu.memory_space<vmem>> -> memref<128xi32, #tpu.memory_space<vmem>>
        %dma_start3A_201 = arith.constant 0 : i32
        %dma_start3A_202 = arith.constant 0 : i32
        %dma_start3A_203 = tpu.memref_slice %arg14[%dma_start3A_201, %dma_start3A_202] : memref<100096x8xf32, #tpu.memory_space<vmem_shared>> -> memref<100096x8xf32, #tpu.memory_space<vmem_shared>>
        tpu.enqueue_indirect_dma source(%dma_start3A_197 : memref<128x8xf32, #tpu.memory_space<vmem>>) target(%dma_start3A_203 : memref<100096x8xf32, #tpu.memory_space<vmem_shared>>) offsets(%dma_start3A_200 : memref<128xi32, #tpu.memory_space<vmem>>) semaphore(%arg18 : memref<!tpu.dma_semaphore, #tpu.memory_space<semaphore_mem>>) {add = true}
        %dma_start3A_204 = arith.constant 15 : i32
        %dma_start3A_205 = arith.constant 896 : i32
        %dma_start3A_206 = arith.constant 0 : i32
        %dma_start3A_207 = tpu.memref_slice %arg9[%dma_start3A_205, %dma_start3A_206] : memref<1024x8xf32, #tpu.memory_space<vmem>> -> memref<128x8xf32, #tpu.memory_space<vmem>>
        %dma_start3A_208 = arith.constant 0 : i32
        %dma_start3A_209 = tpu.memref_slice %arg13[%dma_start3A_204, %dma_start3A_208] : memref<16x128xi32, #tpu.memory_space<vmem>> -> memref<1x128xi32, #tpu.memory_space<vmem>>
        %dma_start3A_210 = tpu.memref_squeeze %dma_start3A_209 : memref<1x128xi32, #tpu.memory_space<vmem>> -> memref<128xi32, #tpu.memory_space<vmem>>
        %dma_start3A_211 = arith.constant 0 : i32
        %dma_start3A_212 = arith.constant 0 : i32
        %dma_start3A_213 = tpu.memref_slice %arg15[%dma_start3A_211, %dma_start3A_212] : memref<100096x8xf32, #tpu.memory_space<vmem_shared>> -> memref<100096x8xf32, #tpu.memory_space<vmem_shared>>
        tpu.enqueue_indirect_dma source(%dma_start3A_207 : memref<128x8xf32, #tpu.memory_space<vmem>>) target(%dma_start3A_213 : memref<100096x8xf32, #tpu.memory_space<vmem_shared>>) offsets(%dma_start3A_210 : memref<128xi32, #tpu.memory_space<vmem>>) semaphore(%arg18 : memref<!tpu.dma_semaphore, #tpu.memory_space<semaphore_mem>>) {add = true}
        %add3A_214 = arith.constant 32 : i32
        %add3A_215 = arith.addi %add3A_14, %add3A_214 : i32
        %lt3A_216 = arith.constant 6250 : i32
        %lt3A_217 = arith.cmpi slt, %add3A_215, %lt3A_216 : i32
        %convert_element_type3A_218 = arith.extui %lt3A_217 : i1 to i32
        %cond3A_219 = arith.constant 0 : i32
        %cond3A_220 = arith.cmpi ne, %convert_element_type3A_218, %cond3A_219 : i32
        scf.if %cond3A_220 {
          %mul3A_381 = arith.constant 1024 : i32
          %mul3A_382 = arith.muli %add3A_215, %mul3A_381 : i32
          %multiple_of3A_383 = tpu.assume_multiple %mul3A_382, 8 : i32
          %dma_start3A_384 = tpu.memref_slice %arg2[%multiple_of3A_383] : memref<6400000xf32, #tpu.memory_space<hbm>> -> memref<1024xf32, #tpu.memory_space<hbm>>
          %dma_start3A_385 = tpu.memref_slice %arg2[%multiple_of3A_383] : memref<6400000xf32, #tpu.memory_space<hbm>> -> memref<1024xf32, #tpu.memory_space<hbm>>
          tpu.enqueue_dma source(%dma_start3A_385 : memref<1024xf32, #tpu.memory_space<hbm>>) target(%arg10 : memref<1024xf32, #tpu.memory_space<vmem>>) target_semaphore(%arg16 : memref<!tpu.dma_semaphore, #tpu.memory_space<semaphore_mem>>)
          %dma_start3A_386 = tpu.memref_slice %arg3[%multiple_of3A_383] : memref<6400000xf32, #tpu.memory_space<hbm>> -> memref<1024xf32, #tpu.memory_space<hbm>>
          %dma_start3A_387 = tpu.memref_slice %arg3[%multiple_of3A_383] : memref<6400000xf32, #tpu.memory_space<hbm>> -> memref<1024xf32, #tpu.memory_space<hbm>>
          tpu.enqueue_dma source(%dma_start3A_387 : memref<1024xf32, #tpu.memory_space<hbm>>) target(%arg11 : memref<1024xf32, #tpu.memory_space<vmem>>) target_semaphore(%arg16 : memref<!tpu.dma_semaphore, #tpu.memory_space<semaphore_mem>>)
          %dma_start3A_388 = tpu.memref_slice %arg4[%multiple_of3A_383] : memref<6400000xf32, #tpu.memory_space<hbm>> -> memref<1024xf32, #tpu.memory_space<hbm>>
          %dma_start3A_389 = tpu.memref_slice %arg4[%multiple_of3A_383] : memref<6400000xf32, #tpu.memory_space<hbm>> -> memref<1024xf32, #tpu.memory_space<hbm>>
          tpu.enqueue_dma source(%dma_start3A_389 : memref<1024xf32, #tpu.memory_space<hbm>>) target(%arg12 : memref<1024xf32, #tpu.memory_space<vmem>>) target_semaphore(%arg16 : memref<!tpu.dma_semaphore, #tpu.memory_space<semaphore_mem>>)
        } else {
        }
        %dma_wait3A_221 = arith.constant 0 : i32
        %dma_wait3A_222 = arith.constant 0 : i32
        %dma_wait3A_223 = arith.constant 0 : i32
        %dma_wait3A_224 = tpu.memref_slice %arg9[%dma_wait3A_222, %dma_wait3A_223] : memref<1024x8xf32, #tpu.memory_space<vmem>> -> memref<128x8xf32, #tpu.memory_space<vmem>>
        %dma_wait3A_225 = arith.constant 0 : i32
        %dma_wait3A_226 = tpu.memref_slice %arg13[%dma_wait3A_221, %dma_wait3A_225] : memref<16x128xi32, #tpu.memory_space<vmem>> -> memref<1x128xi32, #tpu.memory_space<vmem>>
        %dma_wait3A_227 = tpu.memref_squeeze %dma_wait3A_226 : memref<1x128xi32, #tpu.memory_space<vmem>> -> memref<128xi32, #tpu.memory_space<vmem>>
        %dma_wait3A_228 = arith.constant 0 : i32
        %dma_wait3A_229 = arith.constant 0 : i32
        %dma_wait3A_230 = tpu.memref_slice %arg14[%dma_wait3A_228, %dma_wait3A_229] : memref<100096x8xf32, #tpu.memory_space<vmem_shared>> -> memref<100096x8xf32, #tpu.memory_space<vmem_shared>>
        tpu.wait_indirect_dma semaphore(%arg18 : memref<!tpu.dma_semaphore, #tpu.memory_space<semaphore_mem>>) src(%dma_wait3A_224 : memref<128x8xf32, #tpu.memory_space<vmem>>) dst(%dma_wait3A_230 : memref<100096x8xf32, #tpu.memory_space<vmem_shared>>)
        %dma_wait3A_231 = arith.constant 1 : i32
        %dma_wait3A_232 = arith.constant 0 : i32
        %dma_wait3A_233 = arith.constant 0 : i32
        %dma_wait3A_234 = tpu.memref_slice %arg9[%dma_wait3A_232, %dma_wait3A_233] : memref<1024x8xf32, #tpu.memory_space<vmem>> -> memref<128x8xf32, #tpu.memory_space<vmem>>
        %dma_wait3A_235 = arith.constant 0 : i32
        %dma_wait3A_236 = tpu.memref_slice %arg13[%dma_wait3A_231, %dma_wait3A_235] : memref<16x128xi32, #tpu.memory_space<vmem>> -> memref<1x128xi32, #tpu.memory_space<vmem>>
        %dma_wait3A_237 = tpu.memref_squeeze %dma_wait3A_236 : memref<1x128xi32, #tpu.memory_space<vmem>> -> memref<128xi32, #tpu.memory_space<vmem>>
        %dma_wait3A_238 = arith.constant 0 : i32
        %dma_wait3A_239 = arith.constant 0 : i32
        %dma_wait3A_240 = tpu.memref_slice %arg15[%dma_wait3A_238, %dma_wait3A_239] : memref<100096x8xf32, #tpu.memory_space<vmem_shared>> -> memref<100096x8xf32, #tpu.memory_space<vmem_shared>>
        tpu.wait_indirect_dma semaphore(%arg18 : memref<!tpu.dma_semaphore, #tpu.memory_space<semaphore_mem>>) src(%dma_wait3A_234 : memref<128x8xf32, #tpu.memory_space<vmem>>) dst(%dma_wait3A_240 : memref<100096x8xf32, #tpu.memory_space<vmem_shared>>)
        %dma_wait3A_241 = arith.constant 2 : i32
        %dma_wait3A_242 = arith.constant 128 : i32
        %dma_wait3A_243 = arith.constant 0 : i32
        %dma_wait3A_244 = tpu.memref_slice %arg9[%dma_wait3A_242, %dma_wait3A_243] : memref<1024x8xf32, #tpu.memory_space<vmem>> -> memref<128x8xf32, #tpu.memory_space<vmem>>
        %dma_wait3A_245 = arith.constant 0 : i32
        %dma_wait3A_246 = tpu.memref_slice %arg13[%dma_wait3A_241, %dma_wait3A_245] : memref<16x128xi32, #tpu.memory_space<vmem>> -> memref<1x128xi32, #tpu.memory_space<vmem>>
        %dma_wait3A_247 = tpu.memref_squeeze %dma_wait3A_246 : memref<1x128xi32, #tpu.memory_space<vmem>> -> memref<128xi32, #tpu.memory_space<vmem>>
        %dma_wait3A_248 = arith.constant 0 : i32
        %dma_wait3A_249 = arith.constant 0 : i32
        %dma_wait3A_250 = tpu.memref_slice %arg14[%dma_wait3A_248, %dma_wait3A_249] : memref<100096x8xf32, #tpu.memory_space<vmem_shared>> -> memref<100096x8xf32, #tpu.memory_space<vmem_shared>>
        tpu.wait_indirect_dma semaphore(%arg18 : memref<!tpu.dma_semaphore, #tpu.memory_space<semaphore_mem>>) src(%dma_wait3A_244 : memref<128x8xf32, #tpu.memory_space<vmem>>) dst(%dma_wait3A_250 : memref<100096x8xf32, #tpu.memory_space<vmem_shared>>)
        %dma_wait3A_251 = arith.constant 3 : i32
        %dma_wait3A_252 = arith.constant 128 : i32
        %dma_wait3A_253 = arith.constant 0 : i32
        %dma_wait3A_254 = tpu.memref_slice %arg9[%dma_wait3A_252, %dma_wait3A_253] : memref<1024x8xf32, #tpu.memory_space<vmem>> -> memref<128x8xf32, #tpu.memory_space<vmem>>
        %dma_wait3A_255 = arith.constant 0 : i32
        %dma_wait3A_256 = tpu.memref_slice %arg13[%dma_wait3A_251, %dma_wait3A_255] : memref<16x128xi32, #tpu.memory_space<vmem>> -> memref<1x128xi32, #tpu.memory_space<vmem>>
        %dma_wait3A_257 = tpu.memref_squeeze %dma_wait3A_256 : memref<1x128xi32, #tpu.memory_space<vmem>> -> memref<128xi32, #tpu.memory_space<vmem>>
        %dma_wait3A_258 = arith.constant 0 : i32
        %dma_wait3A_259 = arith.constant 0 : i32
        %dma_wait3A_260 = tpu.memref_slice %arg15[%dma_wait3A_258, %dma_wait3A_259] : memref<100096x8xf32, #tpu.memory_space<vmem_shared>> -> memref<100096x8xf32, #tpu.memory_space<vmem_shared>>
        tpu.wait_indirect_dma semaphore(%arg18 : memref<!tpu.dma_semaphore, #tpu.memory_space<semaphore_mem>>) src(%dma_wait3A_254 : memref<128x8xf32, #tpu.memory_space<vmem>>) dst(%dma_wait3A_260 : memref<100096x8xf32, #tpu.memory_space<vmem_shared>>)
        %dma_wait3A_261 = arith.constant 4 : i32
        %dma_wait3A_262 = arith.constant 256 : i32
        %dma_wait3A_263 = arith.constant 0 : i32
        %dma_wait3A_264 = tpu.memref_slice %arg9[%dma_wait3A_262, %dma_wait3A_263] : memref<1024x8xf32, #tpu.memory_space<vmem>> -> memref<128x8xf32, #tpu.memory_space<vmem>>
        %dma_wait3A_265 = arith.constant 0 : i32
        %dma_wait3A_266 = tpu.memref_slice %arg13[%dma_wait3A_261, %dma_wait3A_265] : memref<16x128xi32, #tpu.memory_space<vmem>> -> memref<1x128xi32, #tpu.memory_space<vmem>>
        %dma_wait3A_267 = tpu.memref_squeeze %dma_wait3A_266 : memref<1x128xi32, #tpu.memory_space<vmem>> -> memref<128xi32, #tpu.memory_space<vmem>>
        %dma_wait3A_268 = arith.constant 0 : i32
        %dma_wait3A_269 = arith.constant 0 : i32
        %dma_wait3A_270 = tpu.memref_slice %arg14[%dma_wait3A_268, %dma_wait3A_269] : memref<100096x8xf32, #tpu.memory_space<vmem_shared>> -> memref<100096x8xf32, #tpu.memory_space<vmem_shared>>
        tpu.wait_indirect_dma semaphore(%arg18 : memref<!tpu.dma_semaphore, #tpu.memory_space<semaphore_mem>>) src(%dma_wait3A_264 : memref<128x8xf32, #tpu.memory_space<vmem>>) dst(%dma_wait3A_270 : memref<100096x8xf32, #tpu.memory_space<vmem_shared>>)
        %dma_wait3A_271 = arith.constant 5 : i32
        %dma_wait3A_272 = arith.constant 256 : i32
        %dma_wait3A_273 = arith.constant 0 : i32
        %dma_wait3A_274 = tpu.memref_slice %arg9[%dma_wait3A_272, %dma_wait3A_273] : memref<1024x8xf32, #tpu.memory_space<vmem>> -> memref<128x8xf32, #tpu.memory_space<vmem>>
        %dma_wait3A_275 = arith.constant 0 : i32
        %dma_wait3A_276 = tpu.memref_slice %arg13[%dma_wait3A_271, %dma_wait3A_275] : memref<16x128xi32, #tpu.memory_space<vmem>> -> memref<1x128xi32, #tpu.memory_space<vmem>>
        %dma_wait3A_277 = tpu.memref_squeeze %dma_wait3A_276 : memref<1x128xi32, #tpu.memory_space<vmem>> -> memref<128xi32, #tpu.memory_space<vmem>>
        %dma_wait3A_278 = arith.constant 0 : i32
        %dma_wait3A_279 = arith.constant 0 : i32
        %dma_wait3A_280 = tpu.memref_slice %arg15[%dma_wait3A_278, %dma_wait3A_279] : memref<100096x8xf32, #tpu.memory_space<vmem_shared>> -> memref<100096x8xf32, #tpu.memory_space<vmem_shared>>
        tpu.wait_indirect_dma semaphore(%arg18 : memref<!tpu.dma_semaphore, #tpu.memory_space<semaphore_mem>>) src(%dma_wait3A_274 : memref<128x8xf32, #tpu.memory_space<vmem>>) dst(%dma_wait3A_280 : memref<100096x8xf32, #tpu.memory_space<vmem_shared>>)
        %dma_wait3A_281 = arith.constant 6 : i32
        %dma_wait3A_282 = arith.constant 384 : i32
        %dma_wait3A_283 = arith.constant 0 : i32
        %dma_wait3A_284 = tpu.memref_slice %arg9[%dma_wait3A_282, %dma_wait3A_283] : memref<1024x8xf32, #tpu.memory_space<vmem>> -> memref<128x8xf32, #tpu.memory_space<vmem>>
        %dma_wait3A_285 = arith.constant 0 : i32
        %dma_wait3A_286 = tpu.memref_slice %arg13[%dma_wait3A_281, %dma_wait3A_285] : memref<16x128xi32, #tpu.memory_space<vmem>> -> memref<1x128xi32, #tpu.memory_space<vmem>>
        %dma_wait3A_287 = tpu.memref_squeeze %dma_wait3A_286 : memref<1x128xi32, #tpu.memory_space<vmem>> -> memref<128xi32, #tpu.memory_space<vmem>>
        %dma_wait3A_288 = arith.constant 0 : i32
        %dma_wait3A_289 = arith.constant 0 : i32
        %dma_wait3A_290 = tpu.memref_slice %arg14[%dma_wait3A_288, %dma_wait3A_289] : memref<100096x8xf32, #tpu.memory_space<vmem_shared>> -> memref<100096x8xf32, #tpu.memory_space<vmem_shared>>
        tpu.wait_indirect_dma semaphore(%arg18 : memref<!tpu.dma_semaphore, #tpu.memory_space<semaphore_mem>>) src(%dma_wait3A_284 : memref<128x8xf32, #tpu.memory_space<vmem>>) dst(%dma_wait3A_290 : memref<100096x8xf32, #tpu.memory_space<vmem_shared>>)
        %dma_wait3A_291 = arith.constant 7 : i32
        %dma_wait3A_292 = arith.constant 384 : i32
        %dma_wait3A_293 = arith.constant 0 : i32
        %dma_wait3A_294 = tpu.memref_slice %arg9[%dma_wait3A_292, %dma_wait3A_293] : memref<1024x8xf32, #tpu.memory_space<vmem>> -> memref<128x8xf32, #tpu.memory_space<vmem>>
        %dma_wait3A_295 = arith.constant 0 : i32
        %dma_wait3A_296 = tpu.memref_slice %arg13[%dma_wait3A_291, %dma_wait3A_295] : memref<16x128xi32, #tpu.memory_space<vmem>> -> memref<1x128xi32, #tpu.memory_space<vmem>>
        %dma_wait3A_297 = tpu.memref_squeeze %dma_wait3A_296 : memref<1x128xi32, #tpu.memory_space<vmem>> -> memref<128xi32, #tpu.memory_space<vmem>>
        %dma_wait3A_298 = arith.constant 0 : i32
        %dma_wait3A_299 = arith.constant 0 : i32
        %dma_wait3A_300 = tpu.memref_slice %arg15[%dma_wait3A_298, %dma_wait3A_299] : memref<100096x8xf32, #tpu.memory_space<vmem_shared>> -> memref<100096x8xf32, #tpu.memory_space<vmem_shared>>
        tpu.wait_indirect_dma semaphore(%arg18 : memref<!tpu.dma_semaphore, #tpu.memory_space<semaphore_mem>>) src(%dma_wait3A_294 : memref<128x8xf32, #tpu.memory_space<vmem>>) dst(%dma_wait3A_300 : memref<100096x8xf32, #tpu.memory_space<vmem_shared>>)
        %dma_wait3A_301 = arith.constant 8 : i32
        %dma_wait3A_302 = arith.constant 512 : i32
        %dma_wait3A_303 = arith.constant 0 : i32
        %dma_wait3A_304 = tpu.memref_slice %arg9[%dma_wait3A_302, %dma_wait3A_303] : memref<1024x8xf32, #tpu.memory_space<vmem>> -> memref<128x8xf32, #tpu.memory_space<vmem>>
        %dma_wait3A_305 = arith.constant 0 : i32
        %dma_wait3A_306 = tpu.memref_slice %arg13[%dma_wait3A_301, %dma_wait3A_305] : memref<16x128xi32, #tpu.memory_space<vmem>> -> memref<1x128xi32, #tpu.memory_space<vmem>>
        %dma_wait3A_307 = tpu.memref_squeeze %dma_wait3A_306 : memref<1x128xi32, #tpu.memory_space<vmem>> -> memref<128xi32, #tpu.memory_space<vmem>>
        %dma_wait3A_308 = arith.constant 0 : i32
        %dma_wait3A_309 = arith.constant 0 : i32
        %dma_wait3A_310 = tpu.memref_slice %arg14[%dma_wait3A_308, %dma_wait3A_309] : memref<100096x8xf32, #tpu.memory_space<vmem_shared>> -> memref<100096x8xf32, #tpu.memory_space<vmem_shared>>
        tpu.wait_indirect_dma semaphore(%arg18 : memref<!tpu.dma_semaphore, #tpu.memory_space<semaphore_mem>>) src(%dma_wait3A_304 : memref<128x8xf32, #tpu.memory_space<vmem>>) dst(%dma_wait3A_310 : memref<100096x8xf32, #tpu.memory_space<vmem_shared>>)
        %dma_wait3A_311 = arith.constant 9 : i32
        %dma_wait3A_312 = arith.constant 512 : i32
        %dma_wait3A_313 = arith.constant 0 : i32
        %dma_wait3A_314 = tpu.memref_slice %arg9[%dma_wait3A_312, %dma_wait3A_313] : memref<1024x8xf32, #tpu.memory_space<vmem>> -> memref<128x8xf32, #tpu.memory_space<vmem>>
        %dma_wait3A_315 = arith.constant 0 : i32
        %dma_wait3A_316 = tpu.memref_slice %arg13[%dma_wait3A_311, %dma_wait3A_315] : memref<16x128xi32, #tpu.memory_space<vmem>> -> memref<1x128xi32, #tpu.memory_space<vmem>>
        %dma_wait3A_317 = tpu.memref_squeeze %dma_wait3A_316 : memref<1x128xi32, #tpu.memory_space<vmem>> -> memref<128xi32, #tpu.memory_space<vmem>>
        %dma_wait3A_318 = arith.constant 0 : i32
        %dma_wait3A_319 = arith.constant 0 : i32
        %dma_wait3A_320 = tpu.memref_slice %arg15[%dma_wait3A_318, %dma_wait3A_319] : memref<100096x8xf32, #tpu.memory_space<vmem_shared>> -> memref<100096x8xf32, #tpu.memory_space<vmem_shared>>
        tpu.wait_indirect_dma semaphore(%arg18 : memref<!tpu.dma_semaphore, #tpu.memory_space<semaphore_mem>>) src(%dma_wait3A_314 : memref<128x8xf32, #tpu.memory_space<vmem>>) dst(%dma_wait3A_320 : memref<100096x8xf32, #tpu.memory_space<vmem_shared>>)
        %dma_wait3A_321 = arith.constant 10 : i32
        %dma_wait3A_322 = arith.constant 640 : i32
        %dma_wait3A_323 = arith.constant 0 : i32
        %dma_wait3A_324 = tpu.memref_slice %arg9[%dma_wait3A_322, %dma_wait3A_323] : memref<1024x8xf32, #tpu.memory_space<vmem>> -> memref<128x8xf32, #tpu.memory_space<vmem>>
        %dma_wait3A_325 = arith.constant 0 : i32
        %dma_wait3A_326 = tpu.memref_slice %arg13[%dma_wait3A_321, %dma_wait3A_325] : memref<16x128xi32, #tpu.memory_space<vmem>> -> memref<1x128xi32, #tpu.memory_space<vmem>>
        %dma_wait3A_327 = tpu.memref_squeeze %dma_wait3A_326 : memref<1x128xi32, #tpu.memory_space<vmem>> -> memref<128xi32, #tpu.memory_space<vmem>>
        %dma_wait3A_328 = arith.constant 0 : i32
        %dma_wait3A_329 = arith.constant 0 : i32
        %dma_wait3A_330 = tpu.memref_slice %arg14[%dma_wait3A_328, %dma_wait3A_329] : memref<100096x8xf32, #tpu.memory_space<vmem_shared>> -> memref<100096x8xf32, #tpu.memory_space<vmem_shared>>
        tpu.wait_indirect_dma semaphore(%arg18 : memref<!tpu.dma_semaphore, #tpu.memory_space<semaphore_mem>>) src(%dma_wait3A_324 : memref<128x8xf32, #tpu.memory_space<vmem>>) dst(%dma_wait3A_330 : memref<100096x8xf32, #tpu.memory_space<vmem_shared>>)
        %dma_wait3A_331 = arith.constant 11 : i32
        %dma_wait3A_332 = arith.constant 640 : i32
        %dma_wait3A_333 = arith.constant 0 : i32
        %dma_wait3A_334 = tpu.memref_slice %arg9[%dma_wait3A_332, %dma_wait3A_333] : memref<1024x8xf32, #tpu.memory_space<vmem>> -> memref<128x8xf32, #tpu.memory_space<vmem>>
        %dma_wait3A_335 = arith.constant 0 : i32
        %dma_wait3A_336 = tpu.memref_slice %arg13[%dma_wait3A_331, %dma_wait3A_335] : memref<16x128xi32, #tpu.memory_space<vmem>> -> memref<1x128xi32, #tpu.memory_space<vmem>>
        %dma_wait3A_337 = tpu.memref_squeeze %dma_wait3A_336 : memref<1x128xi32, #tpu.memory_space<vmem>> -> memref<128xi32, #tpu.memory_space<vmem>>
        %dma_wait3A_338 = arith.constant 0 : i32
        %dma_wait3A_339 = arith.constant 0 : i32
        %dma_wait3A_340 = tpu.memref_slice %arg15[%dma_wait3A_338, %dma_wait3A_339] : memref<100096x8xf32, #tpu.memory_space<vmem_shared>> -> memref<100096x8xf32, #tpu.memory_space<vmem_shared>>
        tpu.wait_indirect_dma semaphore(%arg18 : memref<!tpu.dma_semaphore, #tpu.memory_space<semaphore_mem>>) src(%dma_wait3A_334 : memref<128x8xf32, #tpu.memory_space<vmem>>) dst(%dma_wait3A_340 : memref<100096x8xf32, #tpu.memory_space<vmem_shared>>)
        %dma_wait3A_341 = arith.constant 12 : i32
        %dma_wait3A_342 = arith.constant 768 : i32
        %dma_wait3A_343 = arith.constant 0 : i32
        %dma_wait3A_344 = tpu.memref_slice %arg9[%dma_wait3A_342, %dma_wait3A_343] : memref<1024x8xf32, #tpu.memory_space<vmem>> -> memref<128x8xf32, #tpu.memory_space<vmem>>
        %dma_wait3A_345 = arith.constant 0 : i32
        %dma_wait3A_346 = tpu.memref_slice %arg13[%dma_wait3A_341, %dma_wait3A_345] : memref<16x128xi32, #tpu.memory_space<vmem>> -> memref<1x128xi32, #tpu.memory_space<vmem>>
        %dma_wait3A_347 = tpu.memref_squeeze %dma_wait3A_346 : memref<1x128xi32, #tpu.memory_space<vmem>> -> memref<128xi32, #tpu.memory_space<vmem>>
        %dma_wait3A_348 = arith.constant 0 : i32
        %dma_wait3A_349 = arith.constant 0 : i32
        %dma_wait3A_350 = tpu.memref_slice %arg14[%dma_wait3A_348, %dma_wait3A_349] : memref<100096x8xf32, #tpu.memory_space<vmem_shared>> -> memref<100096x8xf32, #tpu.memory_space<vmem_shared>>
        tpu.wait_indirect_dma semaphore(%arg18 : memref<!tpu.dma_semaphore, #tpu.memory_space<semaphore_mem>>) src(%dma_wait3A_344 : memref<128x8xf32, #tpu.memory_space<vmem>>) dst(%dma_wait3A_350 : memref<100096x8xf32, #tpu.memory_space<vmem_shared>>)
        %dma_wait3A_351 = arith.constant 13 : i32
        %dma_wait3A_352 = arith.constant 768 : i32
        %dma_wait3A_353 = arith.constant 0 : i32
        %dma_wait3A_354 = tpu.memref_slice %arg9[%dma_wait3A_352, %dma_wait3A_353] : memref<1024x8xf32, #tpu.memory_space<vmem>> -> memref<128x8xf32, #tpu.memory_space<vmem>>
        %dma_wait3A_355 = arith.constant 0 : i32
        %dma_wait3A_356 = tpu.memref_slice %arg13[%dma_wait3A_351, %dma_wait3A_355] : memref<16x128xi32, #tpu.memory_space<vmem>> -> memref<1x128xi32, #tpu.memory_space<vmem>>
        %dma_wait3A_357 = tpu.memref_squeeze %dma_wait3A_356 : memref<1x128xi32, #tpu.memory_space<vmem>> -> memref<128xi32, #tpu.memory_space<vmem>>
        %dma_wait3A_358 = arith.constant 0 : i32
        %dma_wait3A_359 = arith.constant 0 : i32
        %dma_wait3A_360 = tpu.memref_slice %arg15[%dma_wait3A_358, %dma_wait3A_359] : memref<100096x8xf32, #tpu.memory_space<vmem_shared>> -> memref<100096x8xf32, #tpu.memory_space<vmem_shared>>
        tpu.wait_indirect_dma semaphore(%arg18 : memref<!tpu.dma_semaphore, #tpu.memory_space<semaphore_mem>>) src(%dma_wait3A_354 : memref<128x8xf32, #tpu.memory_space<vmem>>) dst(%dma_wait3A_360 : memref<100096x8xf32, #tpu.memory_space<vmem_shared>>)
        %dma_wait3A_361 = arith.constant 14 : i32
        %dma_wait3A_362 = arith.constant 896 : i32
        %dma_wait3A_363 = arith.constant 0 : i32
        %dma_wait3A_364 = tpu.memref_slice %arg9[%dma_wait3A_362, %dma_wait3A_363] : memref<1024x8xf32, #tpu.memory_space<vmem>> -> memref<128x8xf32, #tpu.memory_space<vmem>>
        %dma_wait3A_365 = arith.constant 0 : i32
        %dma_wait3A_366 = tpu.memref_slice %arg13[%dma_wait3A_361, %dma_wait3A_365] : memref<16x128xi32, #tpu.memory_space<vmem>> -> memref<1x128xi32, #tpu.memory_space<vmem>>
        %dma_wait3A_367 = tpu.memref_squeeze %dma_wait3A_366 : memref<1x128xi32, #tpu.memory_space<vmem>> -> memref<128xi32, #tpu.memory_space<vmem>>
        %dma_wait3A_368 = arith.constant 0 : i32
        %dma_wait3A_369 = arith.constant 0 : i32
        %dma_wait3A_370 = tpu.memref_slice %arg14[%dma_wait3A_368, %dma_wait3A_369] : memref<100096x8xf32, #tpu.memory_space<vmem_shared>> -> memref<100096x8xf32, #tpu.memory_space<vmem_shared>>
        tpu.wait_indirect_dma semaphore(%arg18 : memref<!tpu.dma_semaphore, #tpu.memory_space<semaphore_mem>>) src(%dma_wait3A_364 : memref<128x8xf32, #tpu.memory_space<vmem>>) dst(%dma_wait3A_370 : memref<100096x8xf32, #tpu.memory_space<vmem_shared>>)
        %dma_wait3A_371 = arith.constant 15 : i32
        %dma_wait3A_372 = arith.constant 896 : i32
        %dma_wait3A_373 = arith.constant 0 : i32
        %dma_wait3A_374 = tpu.memref_slice %arg9[%dma_wait3A_372, %dma_wait3A_373] : memref<1024x8xf32, #tpu.memory_space<vmem>> -> memref<128x8xf32, #tpu.memory_space<vmem>>
        %dma_wait3A_375 = arith.constant 0 : i32
        %dma_wait3A_376 = tpu.memref_slice %arg13[%dma_wait3A_371, %dma_wait3A_375] : memref<16x128xi32, #tpu.memory_space<vmem>> -> memref<1x128xi32, #tpu.memory_space<vmem>>
        %dma_wait3A_377 = tpu.memref_squeeze %dma_wait3A_376 : memref<1x128xi32, #tpu.memory_space<vmem>> -> memref<128xi32, #tpu.memory_space<vmem>>
        %dma_wait3A_378 = arith.constant 0 : i32
        %dma_wait3A_379 = arith.constant 0 : i32
        %dma_wait3A_380 = tpu.memref_slice %arg15[%dma_wait3A_378, %dma_wait3A_379] : memref<100096x8xf32, #tpu.memory_space<vmem_shared>> -> memref<100096x8xf32, #tpu.memory_space<vmem_shared>>
        tpu.wait_indirect_dma semaphore(%arg18 : memref<!tpu.dma_semaphore, #tpu.memory_space<semaphore_mem>>) src(%dma_wait3A_374 : memref<128x8xf32, #tpu.memory_space<vmem>>) dst(%dma_wait3A_380 : memref<100096x8xf32, #tpu.memory_space<vmem_shared>>)
      } else {
      }
    }
    %scan3A_9 = arith.constant 196 : i32
    %barrier3A_10 = arith.constant 0 : index
    tpu.barrier barrier_id(%barrier3A_10)
    "tpu.region"() ({
      %run_scoped3A = tpu.sem_alloc : memref<!tpu.dma_semaphore, #tpu.memory_space<semaphore_mem>>
      %dma_start3A = arith.constant 0 : i32
      %dma_start3A_11 = tpu.memref_slice %arg7[%arg0, %multiple_of3A, %dma_start3A] : memref<2x100096x8xf32, #tpu.memory_space<hbm>> -> memref<1x6256x8xf32, #tpu.memory_space<hbm>>
      %dma_start3A_12 = tpu.memref_squeeze %dma_start3A_11 : memref<1x6256x8xf32, #tpu.memory_space<hbm>> -> memref<6256x8xf32, #tpu.memory_space<hbm>>
      %dma_start3A_13 = arith.constant 0 : i32
      %dma_start3A_14 = tpu.memref_slice %arg14[%multiple_of3A, %dma_start3A_13] : memref<100096x8xf32, #tpu.memory_space<vmem_shared>> -> memref<6256x8xf32, #tpu.memory_space<vmem_shared>>
      tpu.enqueue_dma source(%dma_start3A_14 : memref<6256x8xf32, #tpu.memory_space<vmem_shared>>) target(%dma_start3A_12 : memref<6256x8xf32, #tpu.memory_space<hbm>>) target_semaphore(%run_scoped3A : memref<!tpu.dma_semaphore, #tpu.memory_space<semaphore_mem>>)
      %dma_wait3A = arith.constant 0 : i32
      %dma_wait3A_15 = tpu.memref_slice %arg7[%arg0, %multiple_of3A, %dma_wait3A] : memref<2x100096x8xf32, #tpu.memory_space<hbm>> -> memref<1x6256x8xf32, #tpu.memory_space<hbm>>
      %dma_wait3A_16 = tpu.memref_squeeze %dma_wait3A_15 : memref<1x6256x8xf32, #tpu.memory_space<hbm>> -> memref<6256x8xf32, #tpu.memory_space<hbm>>
      %dma_wait3A_17 = arith.constant 0 : i32
      %dma_wait3A_18 = tpu.memref_slice %arg14[%multiple_of3A, %dma_wait3A_17] : memref<100096x8xf32, #tpu.memory_space<vmem_shared>> -> memref<6256x8xf32, #tpu.memory_space<vmem_shared>>
      tpu.wait_dma2 semaphore(%run_scoped3A : memref<!tpu.dma_semaphore, #tpu.memory_space<semaphore_mem>>) src(%dma_wait3A_18 : memref<6256x8xf32, #tpu.memory_space<vmem_shared>>) dst(%dma_wait3A_16 : memref<6256x8xf32, #tpu.memory_space<hbm>>)
      tpu.yield
    }) : () -> ()
    "tpu.region"() ({
      %run_scoped3A = tpu.sem_alloc : memref<!tpu.dma_semaphore, #tpu.memory_space<semaphore_mem>>
      %dma_start3A = arith.constant 0 : i32
      %dma_start3A_11 = tpu.memref_slice %arg8[%arg0, %multiple_of3A, %dma_start3A] : memref<2x100096x8xf32, #tpu.memory_space<hbm>> -> memref<1x6256x8xf32, #tpu.memory_space<hbm>>
      %dma_start3A_12 = tpu.memref_squeeze %dma_start3A_11 : memref<1x6256x8xf32, #tpu.memory_space<hbm>> -> memref<6256x8xf32, #tpu.memory_space<hbm>>
      %dma_start3A_13 = arith.constant 0 : i32
      %dma_start3A_14 = tpu.memref_slice %arg15[%multiple_of3A, %dma_start3A_13] : memref<100096x8xf32, #tpu.memory_space<vmem_shared>> -> memref<6256x8xf32, #tpu.memory_space<vmem_shared>>
      tpu.enqueue_dma source(%dma_start3A_14 : memref<6256x8xf32, #tpu.memory_space<vmem_shared>>) target(%dma_start3A_12 : memref<6256x8xf32, #tpu.memory_space<hbm>>) target_semaphore(%run_scoped3A : memref<!tpu.dma_semaphore, #tpu.memory_space<semaphore_mem>>)
      %dma_wait3A = arith.constant 0 : i32
      %dma_wait3A_15 = tpu.memref_slice %arg8[%arg0, %multiple_of3A, %dma_wait3A] : memref<2x100096x8xf32, #tpu.memory_space<hbm>> -> memref<1x6256x8xf32, #tpu.memory_space<hbm>>
      %dma_wait3A_16 = tpu.memref_squeeze %dma_wait3A_15 : memref<1x6256x8xf32, #tpu.memory_space<hbm>> -> memref<6256x8xf32, #tpu.memory_space<hbm>>
      %dma_wait3A_17 = arith.constant 0 : i32
      %dma_wait3A_18 = tpu.memref_slice %arg15[%multiple_of3A, %dma_wait3A_17] : memref<100096x8xf32, #tpu.memory_space<vmem_shared>> -> memref<6256x8xf32, #tpu.memory_space<vmem_shared>>
      tpu.wait_dma2 semaphore(%run_scoped3A : memref<!tpu.dma_semaphore, #tpu.memory_space<semaphore_mem>>) src(%dma_wait3A_18 : memref<6256x8xf32, #tpu.memory_space<vmem_shared>>) dst(%dma_wait3A_16 : memref<6256x8xf32, #tpu.memory_space<hbm>>)
      tpu.yield
    }) : () -> ()
    return
  }
}

module attributes {stable_mosaic.version = 14 : i64} {
  func.func @_combine_body(%arg0: memref<1x128xf32, #tpu.memory_space<vmem>>, %arg1: memref<2x6256x128xf32, #tpu.memory_space<vmem>>, %arg2: memref<2x6256x128xf32, #tpu.memory_space<vmem>>, %arg3: memref<6256x128xf32, #tpu.memory_space<vmem>>) attributes {dimension_semantics = [], scalar_prefetch = 0 : i64, scratch_operands = 0 : i64, tpu.core_type = #tpu.core_type<tc>} {
    %get3A = arith.constant 0 : index
    %get3A_0 = arith.constant 0 : index
    %get3A_1 = arith.constant 0 : index
    %get3A_2 = vector.load %arg1[%get3A, %get3A_0, %get3A_1] : memref<2x6256x128xf32, #tpu.memory_space<vmem>>, vector<1x6256x128xf32>
    %get3A_3 = vector.shape_cast %get3A_2 : vector<1x6256x128xf32> to vector<6256x128xf32>
    %get3A_4 = arith.constant 1 : index
    %get3A_5 = arith.constant 0 : index
    %get3A_6 = arith.constant 0 : index
    %get3A_7 = vector.load %arg1[%get3A_4, %get3A_5, %get3A_6] : memref<2x6256x128xf32, #tpu.memory_space<vmem>>, vector<1x6256x128xf32>
    %get3A_8 = vector.shape_cast %get3A_7 : vector<1x6256x128xf32> to vector<6256x128xf32>
    %add3A = arith.addf %get3A_3, %get3A_8 : vector<6256x128xf32>
    %get3A_9 = arith.constant 0 : index
    %get3A_10 = arith.constant 0 : index
    %get3A_11 = arith.constant 0 : index
    %get3A_12 = vector.load %arg2[%get3A_9, %get3A_10, %get3A_11] : memref<2x6256x128xf32, #tpu.memory_space<vmem>>, vector<1x6256x128xf32>
    %get3A_13 = vector.shape_cast %get3A_12 : vector<1x6256x128xf32> to vector<6256x128xf32>
    %get3A_14 = arith.constant 1 : index
    %get3A_15 = arith.constant 0 : index
    %get3A_16 = arith.constant 0 : index
    %get3A_17 = vector.load %arg2[%get3A_14, %get3A_15, %get3A_16] : memref<2x6256x128xf32, #tpu.memory_space<vmem>>, vector<1x6256x128xf32>
    %get3A_18 = vector.shape_cast %get3A_17 : vector<1x6256x128xf32> to vector<6256x128xf32>
    %add3A_19 = arith.addf %get3A_13, %get3A_18 : vector<6256x128xf32>
    %sub3A = arith.subf %add3A, %add3A_19 : vector<6256x128xf32>
    %get3A_20 = arith.constant 0 : index
    %get3A_21 = arith.constant 0 : index
    %get3A_22 = vector.load %arg0[%get3A_20, %get3A_21] : memref<1x128xf32, #tpu.memory_space<vmem>>, vector<1x128xf32>
    %mul3A = vector.broadcast %get3A_22 : vector<1x128xf32> to vector<6256x128xf32>
    %mul3A_23 = arith.mulf %sub3A, %mul3A : vector<6256x128xf32>
    %swap3A = arith.constant 0 : index
    %swap3A_24 = arith.constant 0 : index
    %swap3A_25 = vector.load %arg3[%swap3A, %swap3A_24] : memref<6256x128xf32, #tpu.memory_space<vmem>>, vector<6256x128xf32>
    tpu.vector_store %arg3[%swap3A, %swap3A_24], %mul3A_23 {strides = array<i32>} : memref<6256x128xf32, #tpu.memory_space<vmem>>, vector<6256x128xf32>,
    return
  }
}

</mosaic_0001>

<sc_bundles>
// kernel: kernel.4.cloned.1.call-start
scs
__scs_entry_jumppad:
0x0: {  	(pc) =	sbr.rel $0x88, $3  }
0x1: {  	(tag) =	ssettag $0x0;
	lr =	simm.s32 $0x1  }
0x2: {  	[smem:$0x3F9E] =	sst lr;
	_ =	strace $0xD0000000  }
0x3: {  	_ = 	snop  }
0x4: {  	_ = 	snop  }
0x5: {  	_ = 	snop  }
0x6: {  	_ = 	snop  }
0x7: {  	_ = 	snop  }
__scs_overlays_trampoline_lowered:
0x8: {  	[smem:$0x3FAD] =	sst s0  }
0x9: {  	[smem:$0x3FAE] =	sst s1  }
0xa: {  	[smem:$0x3FAF] =	sst s2  }
0xb: {  	[smem:$0x3FB0] =	sst s3  }
0xc: {  	[smem:$0x3FB1] =	sst s4  }
0xd: {  	[smem:$0x3FB2] =	sst s5  }
0xe: {  	[smem:$0x3FB3] =	sst s6  }
0xf: {  	[smem:$0x3FB4] =	sst s7  }
0x10: {  	[smem:$0x3FB5] =	sst s8  }
0x11: {  	[smem:$0x3FB6] =	sst s9;
	s0 =	simm.s32 @!p0 $0x0  }
0x12: {  	s1 =	sld [smem:$0x3F9C];
	s0 =	simm.s32 @p0 $0x1  }
0x13: {  	[smem:$0x3FB7] =	sst s0;
	s0 =	simm.s32 @!p1 $0x0  }
0x14: {  	s2 =	sld [smem:$0x3F9B];
	s0 =	simm.s32 @p1 $0x1  }
0x15: {  	[smem:$0x3FB8] =	sst s0;
	s0 =	simm.s32 @!p2 $0x0  }
0x16: {  	s3 =	sld [smem:$0x3FDB];
	s0 =	simm.s32 @p2 $0x1  }
0x17: {  	s4 =	simm.s32 $0x1BF5;
	[smem:$0x3FBA] =	sst s0  }
0x18: {  	s0 =	sld [smem:$0x3F9D];
	_ =	swait.ge [sflag:s4], $0x0  }
0x19: {  	s7 =	sld [smem:$0x3F9E]  }
0x1a: {  	s8 =	sadd.s32 $0xFFFFE003, lr  }
0x1b: {  	s9 =	sadd.s32 $0xFFFFFEF7, lr;
	s5 =	simm.s32 $0xFFFFFFFF;
	p2 =	slt.u32 s8, $0xFFFFF086  }
0x1c: {  	p1 =	slt.u32 s9, $0xF7A;
	s5 =	simm.s32 @!p2 $0x0  }
0x1d: {  	s5 =	simm.s32 @p1 $0x1;
	p0 =	seq.s32 s7, s2  }
0x1e: {  	s7 =	smul.u32 @!p0 $0xF7A, s2;
	p2 =	seq.s32 @!p0 s5, $0x0  }
0x1f: {  	s9 =	smul.u32 $0xF7A, s1;
	s8 =	simm.s32 @!p0 $0x1BF5;
	p2 =	por !p2, p0  }
0x20: {  	[sflag:s8] =	ssyncset.s32 @!p0 $0xFFFFF086;
	s6 =	sadd.s32 @!p0 s3, s7;
	s7 =	simm.s32 @!p0 $0x108  }
0x21: {  	s3 =	sadd.s32 s3, s9;
	s6 =	sadd.s32 @!p0 $0x88, s6;
	s7 =	simm.s32 @p2 $0x1082  }
0x22: {  	[simem:s7], [sflag:s8] =	dma.local @!p0 [hbm:s6], $0xF7A  }
0x23: {  	s9 =	sor.u32 $0xD0000000, s2;
	s6 =	simm.s32 $0x108;
	_ =	swait.ge @!p0 [sflag:s8], $0x0  }
0x24: {  	s3 =	sadd.s32 $0x88, s3;
	s6 =	simm.s32 @!p1 $0x1082;
	[sflag:s4] =	ssyncset.s32 $0xFFFFF086  }
0x25: {  	[simem:s6], [sflag:s4] =	dma.local [hbm:s3], $0xF7A  }
0x26: {  	[smem:$0x3F9E] =	sst s1;
	(tag) =	ssettag s2;
	_ =	strace s9  }
0x27: {  	s1 =	sld [smem:$0x3FAE]  }
0x28: {  	s2 =	sld [smem:$0x3FAF]  }
0x29: {  	s4 =	sld [smem:$0x3FB1]  }
0x2a: {  	p0 =	seq.s32 s5, $0x0;
	s5 =	sld [smem:$0x3FB2]  }
0x2b: {  	s6 =	sld [smem:$0x3FB3]  }
0x2c: {  	s7 =	sld [smem:$0x3FB4]  }
0x2d: {  	s3 =	simm.s32 $0x108;
	s8 =	sld [smem:$0x3FB5]  }
0x2e: {  	s3 =	simm.s32 @!p0 $0x1082;
	s9 =	sld [smem:$0x3FB6]  }
0x2f: {  	lr =	sadd.s32 s0, s3;
	s0 =	sld [smem:$0x3FAD]  }
0x30: {  	s3 =	sld [smem:$0x3FB0]  }
0x31: {  	[smem:$0x3FB9] =	sst s10  }
0x32: {  	s10 =	sld [smem:$0x3FB7];
	_ =	sdelay $0x3  }
0x33: {  	p0 =	seq.s32 s10, $0x1;
	s10 =	sld [smem:$0x3FB9];
	_ =	sdelay $0x3  }
0x34: {  	[smem:$0x3FB9] =	sst s10  }
0x35: {  	s10 =	sld [smem:$0x3FB8];
	_ =	sdelay $0x3  }
0x36: {  	p1 =	seq.s32 s10, $0x1;
	s10 =	sld [smem:$0x3FB9];
	_ =	sdelay $0x3  }
0x37: {  	[smem:$0x3FB9] =	sst s10  }
0x38: {  	s10 =	sld [smem:$0x3FBA]  }
0x39: {  	_ = 	snop;
	(pc) =	sbr.ind lr, $3  }
0x3a: {  	_ = 	snop  }
0x3b: {  	_ = 	snop  }
0x3c: {  	p2 =	seq.s32 s10, $0x1;
	s10 =	sld [smem:$0x3FB9]  }
0x3d: {  	_ =	shalt  }
0x3e: {  	_ =	shalt  }
0x3f: {  	_ =	shalt  }
0x40: {  	_ =	shalt  }
0x41: {  	_ =	shalt  }
0x42: {  	_ =	shalt  }
0x43: {  	_ =	shalt  }
0x44: {  	_ =	shalt  }
0x45: {  	_ =	shalt  }
0x46: {  	_ =	shalt  }
0x47: {  	_ =	shalt  }
0x48: {  	_ =	shalt  }
0x49: {  	_ =	shalt  }
0x4a: {  	_ =	shalt  }
0x4b: {  	_ =	shalt  }
0x4c: {  	_ =	shalt  }
0x4d: {  	_ =	shalt  }
0x4e: {  	_ =	shalt  }
0x4f: {  	_ =	shalt  }
0x50: {  	_ =	shalt  }
0x51: {  	_ =	shalt  }
0x52: {  	_ =	shalt  }
0x53: {  	_ =	shalt  }
0x54: {  	_ =	shalt  }
0x55: {  	_ =	shalt  }
0x56: {  	_ =	shalt  }
0x57: {  	_ =	shalt  }
0x58: {  	_ =	shalt  }
0x59: {  	_ =	shalt  }
0x5a: {  	_ =	shalt  }
0x5b: {  	_ =	shalt  }
0x5c: {  	_ =	shalt  }
0x5d: {  	_ =	shalt  }
0x5e: {  	_ =	shalt  }
0x5f: {  	_ =	shalt  }
0x60: {  	_ =	shalt  }
0x61: {  	_ =	shalt  }
0x62: {  	_ =	shalt  }
0x63: {  	_ =	shalt  }
0x64: {  	_ =	shalt  }
0x65: {  	_ =	shalt  }
0x66: {  	_ =	shalt  }
0x67: {  	_ =	shalt  }
0x68: {  	_ =	shalt  }
0x69: {  	_ =	shalt  }
0x6a: {  	_ =	shalt  }
0x6b: {  	_ =	shalt  }
0x6c: {  	_ =	shalt  }
0x6d: {  	_ =	shalt  }
0x6e: {  	_ =	shalt  }
0x6f: {  	_ =	shalt  }
0x70: {  	_ =	shalt  }
0x71: {  	_ =	shalt  }
0x72: {  	_ =	shalt  }
0x73: {  	_ =	shalt  }
0x74: {  	_ =	shalt  }
0x75: {  	_ =	shalt  }
0x76: {  	_ =	shalt  }
0x77: {  	_ =	shalt  }
0x78: {  	_ =	shalt  }
0x79: {  	_ =	shalt  }
0x7a: {  	_ =	shalt  }
0x7b: {  	_ =	shalt  }
0x7c: {  	_ =	shalt  }
0x7d: {  	_ =	shalt  }
0x7e: {  	_ =	shalt  }
0x7f: {  	_ =	shalt  }
0x80: {  	_ =	shalt  }
0x81: {  	_ =	shalt  }
0x82: {  	_ =	shalt  }
0x83: {  	_ =	shalt  }
0x84: {  	_ =	shalt  }
0x85: {  	_ =	shalt  }
0x86: {  	_ =	shalt  }
0x87: {  	_ =	shalt  }
.Lfunc_end0:
.L_simem_size_0:
called_computation_lowered:
.L_overlay_start_0:
0x88: {  	s2 =	sld [smem:$0x3FD9]  }
0x89: {  	s3 =	sld [smem:$0x3FFE];
	_ =	sdelay $0x1  }
0x8a: {  	s1 =	srdreg.scid  }
0x8b: {  	s0 =	sand.u32 $0x1, s1  }
0x8c: {  	s17 =	sshll.u32 s0, $0xA;
	s2 =	sadd.s32 s3, s2  }
0x8d: {  	s2 =	sadd.s32 s2, s17  }
0x8e: {  	[smem:$0x3FC5] =	sst s2  }
0x8f: {  	_ = 	snop  }
0x90: {  	s2 =	sld [smem:$0x3FC8];
	(tm) =	ssettm $0x1  }
0x91: {  	s18 =	sld [smem:$0x3FFB];
	_ =	sdelay $0x3  }
0x92: {  	_ =	strace s18  }
0x93: {  	s3 =	sld [smem:$0x3FFC];
	_ =	sdelay $0x3  }
0x94: {  	_ =	strace s3  }
0x95: {  	s3 =	sld [smem:$0x3FFD];
	_ =	sdelay $0x3  }
0x96: {  	_ =	strace s3  }
0x97: {  	_ =	strace $0x8FFFFFFF  }
0x98: {  	s19 =	sld [smem:$0x3FDB];
	_ =	sdelay $0x1  }
0x99: {  	s4 =	simm.s32 $_scs_section_size  }
0x9a: {  	s5 =	simm.s32 $_size__tile_overlayer_lowered;
	s6 =	simm.s32 $_tile_overlayer_lowered  }
0x9b: {  	s22 =	simm.s32 $0x1BFF;
	s21 =	sshll.u32 s6, $0x1;
	s3 =	sadd.s32 s4, s19  }
0x9c: {  	s7 =	simm.s32 $0x0;
	s20 =	sshll.u32 s5, $0x1;
	s5 =	sadd.s32 s21, s3  }
0x9d: {  	[timem:s7], [sflag:s22] =	dma.local [hbm:s5], s20  }
0x9e: {  	_ =	swait.ge [sflag:s22], s20  }
0x9f: {  	s4 =	ssub.s32 $0x0, s20;
	[sflag:s22] =	ssyncset.done $0x0  }
0xa0: {  	[sflag:s22] =	ssyncadd.s32 s4;
	_ =	sdelay $0x1  }
0xa1: {  	s23 =	simm.s32 $0x1B8B  }
0xa2: {  	_ =	swait.ge [sflag:s23], $0x1  }
0xa3: {  	[sflag:s23] =	ssyncset.done $0x0  }
0xa4: {  	s25 =	simm.s32 $0x1B8E;
	s24 =	sld [smem:$0x3FFE];
	[sflag:s23] =	ssyncadd.s32 $0xFFFFFFFF  }
0xa5: {  	s26 =	simm.s32 $execute0_lowered;
	[smem:$0x3FD2] =	sst s25  }
0xa6: {  	s5 =	sshll.u32 s26, $0x1;
	_ =	strace $0x80000046;
	[dreg:$0x1] =	wrdreg $0xFFFFFFFF  }
0xa7: {  	s28 =	simm.s32 $_size_execute0_lowered;
	s3 =	sadd.s32 s3, s5;
	[dreg:$0x0] =	wrdreg $0x0  }
0xa8: {  	s5 =	sshll.u32 s28, $0x1;
	[dreg:$0x2] =	wrdreg s3  }
0xa9: {  	[dreg:$0x3] =	wrdreg s5  }
0xaa: {  	[dreg:$0x4] =	wrdreg $0xC0  }
0xab: {  	_ =	task [dreg:s7], $0x5FFFF  }
0xac: {  	[dreg:$0x1] =	wrdreg $0xFFFFFFFF  }
0xad: {  	[dreg:$0x0] =	wrdreg $0x60  }
0xae: {  	[dreg:$0x2] =	wrdreg s24  }
0xaf: {  	[dreg:$0x3] =	wrdreg s2  }
0xb0: {  	[dreg:$0x4] =	wrdreg $0x34000  }
0xb1: {  	[dreg:$0x5] =	wrdreg $0xF7800  }
0xb2: {  	[dreg:$0x6] =	wrdreg $0x9  }
0xb3: {  	_ =	task.clear_ibuf [dreg:s7], $0x7FFFF;
	_ =	strace $0x90000046  }
0xb4: {  	s29 =	simm.s32 $0x9;
	_ =	strace $0x80000048  }
0xb5: {  	_ =	swait.ge [sflag:s29], $0x1  }
0xb6: {  	[sflag:s29] =	ssyncadd.s32 $0xFFFFFFFF  }
0xb7: {  	_ =	strace $0x90000048  }
0xb8: {  	_ =	sfence  }
0xb9: {  	s30 =	sld [smem:$0x0];
	_ =	sdelay $0x2  }
0xba: {  	s31 =	sshll.u32 s1, $0xD;
	s1 =	sshrl.u32 s1, $0x2  }
0xbb: {  	s3 =	sand.u32 $0x4000, s31;
	s1 =	sadd.s32 s1, s30  }
0xbc: {  	s0 =	sor.u32 s3, s0;
	s1 =	sshll.u32 s1, $0x11  }
0xbd: {  	s0 =	sor.u32 s1, s0  }
0xbe: {  	s0 =	sadd.s32 $0x8F2B, s0  }
0xbf: {  	[sflag:s0] =	ssyncadd.remote.s32 $0x1  }
0xc0: {  	_ =	sfence.sel $0xFFFF  }
0xc1: {  	[dreg:$0x0] =	wrdreg $0xFFFFFFFF;
	(pc) =	sbr.abs _section_cstart, $3  }
0xc2: {  	[dreg:$0x1] =	wrdreg $0xFFFFFFFF  }
0xc3: {  	_ =	task.clear_ibuf [dreg:s7], $0x2FFFF;
	_ =	strace $0x9FFFFFFF  }
0xc4: {  	(tm) =	ssettm $0x7FFFFFFF  }
0xc5: {  	_ =	shalt  }
tec
execute0_lowered:
.L_overlay_start_1:
0x0: {  	(tag) =	ssettag $0x1  }
0x1: {  	s0 =	rddreg [dreg:$0x0]  }
0x2: {  	s3 =	rddreg [dreg:$0x2]  }
0x3: {  	s4 =	rddreg [dreg:$0x3];
	s5 =	simm.s32 $0x0  }
0x4: {  	s13 =	stileid.u32;
	s1 =	srdreg.scid;
	s16 =	simm.s32 $0x4  }
0x5: {  	s28 =	simm.s32 $0x80;
	s31 =	simm.s32 $0x400;
	s15 =	simm.s32 $0x1000  }
0x6: {  	s29 =	simm.s32 $0x1C00;
	s30 =	simm.s32 $0x3380;
	s18 =	simm.s32 $0x0  }
0x7: {  	[smem:$0x7FF] =	sst s5;
	s2 =	smul.u32 $0xC380, s13;
	s1 =	sand.u32 $0x1, s1  }
0x8: {  	s6 =	sadd.s32 $0x187C00, s0;
	s7 =	sadd.s32 $0xC4600, s0;
	s8 =	sadd.s32 $0x1000, s0  }
0x9: {  	s12 =	sshll.u32 s13, $0x1;
	s21 =	sshll.u32 s13, $0x6;
	_ =	strace $0x80000047  }
0xa: {  	s9 =	smul.u32 $0xC3800, s1;
	s11 =	ssub.s32 $0x2, s1;
	s13 =	sor.u32 $0x1C04, s21  }
0xb: {  	s21 =	simm.s32 $0x800;
	s10 =	sshrl.u32 s2, $0x3;
	s19 =	sshrl.u32 s11, $0x1  }
0xc: {  	s20 =	sadd.s32 s2, s3;
	[dreg:$0x6] =	wrdreg s13;
	s9 =	sadd.s32 s2, s9  }
0xd: {  	s10 =	sadd.s32 s10, s0;
	s11 =	ssub.s32 s11, s19;
	s2 =	sadd.s32 s2, s4  }
0xe: {  	s14 =	sshrl.u32 s20, $0x3;
	s20 =	simm.s32 $0x3200;
	s19 =	simm.s32 $0x3280  }
0xf: {  	s9 =	sshrl.u32 s9, $0x3;
	s10 =	sadd.s32 $0x24B200, s10;
	s26 =	smax.u32 s11, $0x1  }
0x10: {  	s17 =	sshrl.u32 s2, $0x3;
	s11 =	simm.s32 $0x1800;
	[dreg:$0xd] =	wrdreg s14  }
0x11: {  	s0 =	sadd.s32 s9, s0;
	s9 =	sor.u32 s1, s12;
	[dreg:$0x5] =	wrdreg s10  }
0x12: {  	[dreg:$0xc] =	wrdreg s26;
	s26 =	simm.s32 $0x2;
	s10 =	simm.s32 $0x1400  }
0x13: {  	[dreg:$0xe] =	wrdreg s17;
	s12 =	sshll.u32 s9, $0x7;
	s25 =	sadd.s32 $0x263A00, s0  }
.Ltmp0:
0x14: {  	s0 =	sadd.s32 $0x294800, s0;
	[dreg:$0xa] =	wrdreg s25;
	(pc) =	sbr.rel .LBB2_1-.Ltmp0, $4  }
0x15: {  	s1 =	simm.s32 $0x3300;
	s22 =	sadd.s32 s6, s12;
	[dreg:$0xb] =	wrdreg s0  }
0x16: {  	s23 =	sadd.s32 s7, s12;
	s24 =	sadd.s32 s8, s12;
	[dreg:$0x7] =	wrdreg s22  }
0x17: {  	v0 =	vlaneseq.u32;
	s25 =	simm.s32 $0x1;
	s12 =	simm.s32 $0xC00;
	[dreg:$0x8] =	wrdreg s23  }
0x18: {  	v0 =	vmul.u32 $0x8, v0;
	s0 =	simm.s32 $0x3;
	[dreg:$0x9] =	wrdreg s24;
	s24 =	simm.s32 $0x2C00  }
.LBB2_7:
0x19: {  	[bflag:$0x0] =	sbarrier.arrive $0xFFFF  }
0x1a: {  	s13 =	rddreg [dreg:$0x6]  }
0x1b: {  	s2 =	rddreg [dreg:$0xa]  }
0x1c: {  	s16 =	simm.s32 $0x4;
	s14 =	rddreg [dreg:$0xd]  }
0x1d: {  	[hbm:s2], [sflag:s13] =	dma.local [spmem:s14], $0x1870  }
0x1e: {  	_ =	swait.ge [sflag:s16], $0x1870  }
0x1f: {  	[sflag:s16] =	ssyncset.done $0x0;
	s22 =	rddreg [dreg:$0xb]  }
0x20: {  	s17 =	rddreg [dreg:$0xe];
	[sflag:s16] =	ssyncadd.s32 $0xFFFFE790  }
0x21: {  	[hbm:s22], [sflag:s13] =	dma.local [spmem:s17], $0x1870  }
0x22: {  	_ =	swait.ge [sflag:s16], $0x1870  }
0x23: {  	s18 =	rddreg [dreg:$0xf]  }
0x24: {  	s23 =	rddreg [dreg:$0xc];
	s18 =	sadd.s32 $0x1, s18  }
0x25: {  	p0 =	sne.s32 s18, s23  }
.Ltmp1:
0x26: {  	_ = 	snop;
	(pc) =	sbr.rel @!p0 .LBB2_8-.Ltmp1, $3  }
0x27: {  	_ =	sdelay $0x1  }
0x28: {  	[sflag:s16] =	ssyncset.done $0x0  }
0x29: {  	[sflag:s16] =	ssyncadd.s32 $0xFFFFE790  }
.LBB2_1:
0x2a: {  	[dreg:$0xf] =	wrdreg s18  }
0x2b: {  	s2 =	rddreg [dreg:$0x5]  }
0x2c: {  	[spmem:s14], [sflag:s13] =	dma.local [hbm:s2], $0x1870  }
0x2d: {  	_ =	swait.ge [sflag:s16], $0x1870  }
0x2e: {  	[sflag:s16] =	ssyncset.done $0x0  }
0x2f: {  	[sflag:s16] =	ssyncadd.s32 $0xFFFFE790  }
0x30: {  	[spmem:s17], [sflag:s13] =	dma.local [hbm:s2], $0x1870  }
0x31: {  	_ =	swait.ge [sflag:s16], $0x1870  }
0x32: {  	[sflag:s16] =	ssyncset.done $0x0  }
0x33: {  	[sflag:s16] =	ssyncadd.s32 $0xFFFFE790  }
0x34: {  	[bflag:$0x0] =	sbarrier.arrive $0xFFFF  }
0x35: {  	s16 =	simm.s32 $0x2000;
	s14 =	rddreg [dreg:$0x7]  }
0x36: {  	[tilespmem:s16], [sflag:$0x1] =	stream.linear.gather [hbm4b:s14+s5], $0x400, $0x38;
	[tilespmem:$0x1BB00] =	vst v63  }
.Ltmp2:
0x37: {  	_ = 	snop;
	(pc) =	sbr.rel .LBB2_2-.Ltmp2, $4  }
0x38: {  	s18 =	simm.s32 $0x2400;
	s17 =	rddreg [dreg:$0x8]  }
0x39: {  	[tilespmem:s18], [sflag:$0x1] =	stream.linear.gather [hbm4b:s17+s5], $0x400, $0x38;
	[tilespmem:$0x1BB00] =	vst v63  }
0x3a: {  	s23 =	simm.s32 $0x2800;
	s2 =	simm.s32 $0x0;
	s22 =	rddreg [dreg:$0x9]  }
0x3b: {  	[tilespmem:s23], [sflag:$0x1] =	stream.linear.gather [hbm4b:s22+s5], $0x400, $0x38;
	[tilespmem:$0x1BB00] =	vst v63  }
.LBB2_6:
0x3c: {  	s2 =	sadd.s32 $0x1, s2  }
0x3d: {  	p0 =	sne.s32 s2, $0xC4  }
.Ltmp3:
0x3e: {  	_ = 	snop;
	(pc) =	sbr.rel @!p0 .LBB2_7-.Ltmp3, $1  }
0x3f: {  	_ =	sdelay $0x3  }
.LBB2_2:
0x40: {  	s13 =	sshll.u32 s2, $0x5  }
0x41: {  	s22 =	sor.u32 s9, s13  }
0x42: {  	p0 =	sgt.u32 s22, $0x1869  }
.Ltmp4:
0x43: {  	_ = 	snop;
	(pc) =	sbr.rel @p0 .LBB2_6-.Ltmp4, $1  }
0x44: {  	_ =	sdelay $0x3  }
0x45: {  	s13 =	sshll.u32 s22, $0x8;
	s14 =	rddreg [dreg:$0x1]  }
0x46: {  	s16 =	simm.s32 $0x0;
	s13 =	sadd.s32 s14, s13  }
0x47: {  	[tilespmem:s24], [sflag:$0x2] =	stream.linear.gather [hbm4b:s13+s16], $0x800, $0x38;
	[tilespmem:$0x1BB00] =	vst v63  }
0x48: {  	_ =	swait.ge [sflag:s25], $0x400  }
0x49: {  	[sflag:s25] =	ssyncset.done $0x0  }
0x4a: {  	[sflag:s25] =	ssyncadd.s32 $0xFFFFFC00  }
0x4b: {  	_ =	swait.ge [sflag:s25], $0x400  }
0x4c: {  	[sflag:s25] =	ssyncset.done $0x0  }
0x4d: {  	[sflag:s25] =	ssyncadd.s32 $0xFFFFFC00  }
0x4e: {  	_ =	swait.ge [sflag:s25], $0x400  }
0x4f: {  	v1 =	vmov s16;
	[sflag:s25] =	ssyncset.done $0x0  }
0x50: {  	s23 =	simm.s32 $0x2020;
	v1 =	vshll.u32 v1, $0x3;
	[sflag:s25] =	ssyncadd.s32 $0xFFFFFC00  }
0x51: {  	v1 =	vor.u32 v0, v1;
	v2 =	vld [tilespmem:s23+$0xFFFFFFE0];
	_ =	sdelay $0x4  }
0x52: {  	s13 =	simm.s32 $0x2420;
	[tilespmem:v1+s5+$0x0] =	vst.idx.msk $0xffff, v2  }
0x53: {  	v3 =	vor.u32 $0x1, v1;
	v2 =	vld [tilespmem:s13+$0xFFFFFFE0];
	_ =	sdelay $0x4  }
0x54: {  	s14 =	simm.s32 $0x2820;
	[tilespmem:v3+s5+$0x0] =	vst.idx.msk $0xffff, v2  }
0x55: {  	v1 =	vor.u32 $0x2, v1;
	v2 =	vld [tilespmem:s14+$0xFFFFFFE0];
	_ =	sdelay $0x2  }
0x56: {  	s16 =	simm.s32 $0x10  }
0x57: {  	v3 =	vmov s16  }
0x58: {  	[tilespmem:v1+s5+$0x0] =	vst.idx.msk $0xffff, v2;
	v1 =	vshll.u32 v3, $0x3  }
0x59: {  	v2 =	vld [tilespmem:s23+$0xFFFFFFF0];
	v1 =	vor.u32 v0, v1;
	_ =	sdelay $0x4  }
0x5a: {  	[tilespmem:v1+s5+$0x0] =	vst.idx.msk $0xffff, v2  }
0x5b: {  	v3 =	vor.u32 $0x1, v1;
	v2 =	vld [tilespmem:s13+$0xFFFFFFF0];
	_ =	sdelay $0x4  }
0x5c: {  	[tilespmem:v3+s5+$0x0] =	vst.idx.msk $0xffff, v2  }
0x5d: {  	v1 =	vor.u32 $0x2, v1;
	v2 =	vld [tilespmem:s14+$0xFFFFFFF0];
	_ =	sdelay $0x2  }
0x5e: {  	s17 =	simm.s32 $0x20  }
0x5f: {  	v3 =	vmov s17  }
0x60: {  	[tilespmem:v1+s5+$0x0] =	vst.idx.msk $0xffff, v2;
	v1 =	vshll.u32 v3, $0x3  }
0x61: {  	v2 =	vld [tilespmem:s23+$0x0];
	v1 =	vor.u32 v0, v1;
	_ =	sdelay $0x4  }
0x62: {  	[tilespmem:v1+s5+$0x0] =	vst.idx.msk $0xffff, v2  }
0x63: {  	v3 =	vor.u32 $0x1, v1;
	v2 =	vld [tilespmem:s13+$0x0];
	_ =	sdelay $0x4  }
0x64: {  	[tilespmem:v3+s5+$0x0] =	vst.idx.msk $0xffff, v2  }
0x65: {  	v1 =	vor.u32 $0x2, v1;
	v2 =	vld [tilespmem:s14+$0x0];
	_ =	sdelay $0x2  }
0x66: {  	s18 =	simm.s32 $0x30  }
0x67: {  	v3 =	vmov s18  }
0x68: {  	[tilespmem:v1+s5+$0x0] =	vst.idx.msk $0xffff, v2;
	v1 =	vshll.u32 v3, $0x3  }
0x69: {  	v2 =	vld [tilespmem:s23+$0x10];
	v3 =	vor.u32 v0, v1;
	_ =	sdelay $0x4  }
0x6a: {  	[tilespmem:v3+s5+$0x0] =	vst.idx.msk $0xffff, v2  }
0x6b: {  	v2 =	vor.u32 $0x1, v3;
	v1 =	vld [tilespmem:s13+$0x10];
	_ =	sdelay $0x4  }
0x6c: {  	[tilespmem:v2+s5+$0x0] =	vst.idx.msk $0xffff, v1  }
0x6d: {  	v2 =	vor.u32 $0x2, v3;
	v1 =	vld [tilespmem:s14+$0x10];
	_ =	sdelay $0x2  }
0x6e: {  	s16 =	simm.s32 $0x0;
	s17 =	simm.s32 $0x40  }
.LBB2_4:
0x6f: {  	v3 =	vmov s17;
	s16 =	sadd.s32 $0x4, s16  }
0x70: {  	s23 =	sadd.s32 $0x40, s23;
	v3 =	vshll.u32 v3, $0x3;
	p0 =	slt.u32 s16, $0x3C;
	[tilespmem:v2+s5+$0x0] =	vst.idx.msk $0xffff, v1  }
0x71: {  	v1 =	vld [tilespmem:s23+$0xFFFFFFE0];
	v2 =	vor.u32 v0, v3;
	_ =	sdelay $0x4  }
0x72: {  	s13 =	sadd.s32 $0x40, s13;
	[tilespmem:v2+s5+$0x0] =	vst.idx.msk $0xffff, v1  }
0x73: {  	v3 =	vor.u32 $0x1, v2;
	v1 =	vld [tilespmem:s13+$0xFFFFFFE0];
	_ =	sdelay $0x4  }
0x74: {  	s14 =	sadd.s32 $0x40, s14;
	[tilespmem:v3+s5+$0x0] =	vst.idx.msk $0xffff, v1  }
0x75: {  	v2 =	vor.u32 $0x2, v2;
	v1 =	vld [tilespmem:s14+$0xFFFFFFE0];
	_ =	sdelay $0x2  }
0x76: {  	s18 =	sadd.s32 $0x10, s17  }
0x77: {  	v3 =	vmov s18  }
0x78: {  	[tilespmem:v2+s5+$0x0] =	vst.idx.msk $0xffff, v1;
	v1 =	vshll.u32 v3, $0x3  }
0x79: {  	v2 =	vld [tilespmem:s23+$0xFFFFFFF0];
	v1 =	vor.u32 v0, v1;
	_ =	sdelay $0x4  }
0x7a: {  	[tilespmem:v1+s5+$0x0] =	vst.idx.msk $0xffff, v2  }
0x7b: {  	v3 =	vor.u32 $0x1, v1;
	v2 =	vld [tilespmem:s13+$0xFFFFFFF0];
	_ =	sdelay $0x4  }
0x7c: {  	[tilespmem:v3+s5+$0x0] =	vst.idx.msk $0xffff, v2  }
0x7d: {  	v1 =	vor.u32 $0x2, v1;
	v2 =	vld [tilespmem:s14+$0xFFFFFFF0];
	_ =	sdelay $0x2  }
0x7e: {  	s18 =	sadd.s32 $0x20, s17  }
0x7f: {  	v3 =	vmov s18  }
0x80: {  	[tilespmem:v1+s5+$0x0] =	vst.idx.msk $0xffff, v2;
	v1 =	vshll.u32 v3, $0x3  }
0x81: {  	v2 =	vld [tilespmem:s23+$0x0];
	v1 =	vor.u32 v0, v1;
	_ =	sdelay $0x4  }
0x82: {  	[tilespmem:v1+s5+$0x0] =	vst.idx.msk $0xffff, v2  }
0x83: {  	v3 =	vor.u32 $0x1, v1;
	v2 =	vld [tilespmem:s13+$0x0];
	_ =	sdelay $0x4  }
0x84: {  	[tilespmem:v3+s5+$0x0] =	vst.idx.msk $0xffff, v2  }
0x85: {  	v1 =	vor.u32 $0x2, v1;
	v2 =	vld [tilespmem:s14+$0x0];
	_ =	sdelay $0x2  }
0x86: {  	s18 =	sadd.s32 $0x30, s17  }
0x87: {  	v3 =	vmov s18  }
0x88: {  	[tilespmem:v1+s5+$0x0] =	vst.idx.msk $0xffff, v2;
	v1 =	vshll.u32 v3, $0x3  }
0x89: {  	v2 =	vld [tilespmem:s23+$0x10];
	v3 =	vor.u32 v0, v1;
	_ =	sdelay $0x4  }
0x8a: {  	[tilespmem:v3+s5+$0x0] =	vst.idx.msk $0xffff, v2  }
0x8b: {  	v2 =	vor.u32 $0x1, v3;
	v1 =	vld [tilespmem:s13+$0x10];
	_ =	sdelay $0x4  }
.Ltmp5:
0x8c: {  	[tilespmem:v2+s5+$0x0] =	vst.idx.msk $0xffff, v1;
	(pc) =	sbr.rel @p0 .LBB2_4-.Ltmp5, $2  }
0x8d: {  	v2 =	vor.u32 $0x2, v3;
	v1 =	vld [tilespmem:s14+$0x10];
	_ =	sdelay $0x2  }
0x8e: {  	s17 =	sadd.s32 $0x40, s17  }
0x8f: {  	_ =	sdelay $0x3  }
0x90: {  	[tilespmem:v2+s5+$0x0] =	vst.idx.msk $0xffff, v1  }
0x91: {  	_ =	swait.ge [sflag:s26], $0x800  }
0x92: {  	[sflag:s26] =	ssyncset.done $0x0  }
0x93: {  	[sflag:s26] =	ssyncadd.s32 $0xFFFFF800  }
0x94: {  	[spmem:s3] =	stream.indirect.scatter.add.f32 [tilespmem:s5], [sflag:$0x3], $0x8, s24, s28, $0xb8;
	[tilespmem:$0x1BB00] =	vst v63  }
0x95: {  	s13 =	simm.s32 $0x2C80  }
0x96: {  	[spmem:s4] =	stream.indirect.scatter.add.f32 [tilespmem:s5], [sflag:$0x3], $0x8, s13, s28, $0xb8;
	[tilespmem:$0x1BB00] =	vst v63  }
0x97: {  	s14 =	simm.s32 $0x2D00  }
0x98: {  	[spmem:s3] =	stream.indirect.scatter.add.f32 [tilespmem:s31], [sflag:$0x3], $0x8, s14, s28, $0xb8;
	[tilespmem:$0x1BB00] =	vst v63  }
0x99: {  	s16 =	simm.s32 $0x2D80  }
0x9a: {  	[spmem:s4] =	stream.indirect.scatter.add.f32 [tilespmem:s31], [sflag:$0x3], $0x8, s16, s28, $0xb8;
	[tilespmem:$0x1BB00] =	vst v63  }
0x9b: {  	s17 =	simm.s32 $0x2E00  }
0x9c: {  	[spmem:s3] =	stream.indirect.scatter.add.f32 [tilespmem:s21], [sflag:$0x3], $0x8, s17, s28, $0xb8;
	[tilespmem:$0x1BB00] =	vst v63  }
0x9d: {  	s18 =	simm.s32 $0x2E80  }
0x9e: {  	[spmem:s4] =	stream.indirect.scatter.add.f32 [tilespmem:s21], [sflag:$0x3], $0x8, s18, s28, $0xb8;
	[tilespmem:$0x1BB00] =	vst v63  }
0x9f: {  	s23 =	simm.s32 $0x2F00  }
0xa0: {  	[spmem:s3] =	stream.indirect.scatter.add.f32 [tilespmem:s12], [sflag:$0x3], $0x8, s23, s28, $0xb8;
	[tilespmem:$0x1BB00] =	vst v63  }
0xa1: {  	s14 =	simm.s32 $0x2F80  }
0xa2: {  	[spmem:s4] =	stream.indirect.scatter.add.f32 [tilespmem:s12], [sflag:$0x3], $0x8, s14, s28, $0xb8;
	[tilespmem:$0x1BB00] =	vst v63  }
0xa3: {  	s16 =	simm.s32 $0x3000  }
0xa4: {  	[spmem:s3] =	stream.indirect.scatter.add.f32 [tilespmem:s15], [sflag:$0x3], $0x8, s16, s28, $0xb8;
	[tilespmem:$0x1BB00] =	vst v63  }
0xa5: {  	s17 =	simm.s32 $0x3080  }
0xa6: {  	[spmem:s4] =	stream.indirect.scatter.add.f32 [tilespmem:s15], [sflag:$0x3], $0x8, s17, s28, $0xb8;
	[tilespmem:$0x1BB00] =	vst v63  }
0xa7: {  	s18 =	simm.s32 $0x3100  }
0xa8: {  	[spmem:s3] =	stream.indirect.scatter.add.f32 [tilespmem:s10], [sflag:$0x3], $0x8, s18, s28, $0xb8;
	[tilespmem:$0x1BB00] =	vst v63  }
0xa9: {  	s23 =	simm.s32 $0x3180  }
0xaa: {  	[spmem:s4] =	stream.indirect.scatter.add.f32 [tilespmem:s10], [sflag:$0x3], $0x8, s23, s28, $0xb8;
	[tilespmem:$0x1BB00] =	vst v63  }
0xab: {  	_ = 	snop  }
0xac: {  	[spmem:s3] =	stream.indirect.scatter.add.f32 [tilespmem:s11], [sflag:$0x3], $0x8, s20, s28, $0xb8;
	[tilespmem:$0x1BB00] =	vst v63  }
0xad: {  	p0 =	sgt.u32 s22, $0x1849  }
0xae: {  	[spmem:s4] =	stream.indirect.scatter.add.f32 [tilespmem:s11], [sflag:$0x3], $0x8, s19, s28, $0xb8;
	[tilespmem:$0x1BB00] =	vst v63  }
0xaf: {  	s13 =	sshll.u32 @!p0 s22, $0x7  }
0xb0: {  	[spmem:s3] =	stream.indirect.scatter.add.f32 [tilespmem:s29], [sflag:$0x3], $0x8, s1, s28, $0xb8;
	[tilespmem:$0x1BB00] =	vst v63  }
0xb1: {  	s13 =	sadd.s32 @!p0 $0x1000, s13  }
0xb2: {  	[spmem:s4] =	stream.indirect.scatter.add.f32 [tilespmem:s29], [sflag:$0x3], $0x8, s30, s28, $0xb8;
	[tilespmem:$0x1BB00] =	vst v63  }
0xb3: {  	s14 =	sadd.s32 @!p0 s6, s13;
	s16 =	simm.s32 @!p0 $0x0;
	s17 =	simm.s32 @!p0 $0x2000  }
0xb4: {  	[tilespmem:s17], [sflag:$0x1] =	stream.linear.gather @!p0 [hbm4b:s14+s16], $0x400, $0x38;
	[tilespmem:$0x1BB00] =	vst v63  }
0xb5: {  	s14 =	sadd.s32 @!p0 s7, s13;
	s17 =	simm.s32 @!p0 $0x2400  }
0xb6: {  	[tilespmem:s17], [sflag:$0x1] =	stream.linear.gather @!p0 [hbm4b:s14+s16], $0x400, $0x38;
	[tilespmem:$0x1BB00] =	vst v63  }
0xb7: {  	s13 =	sadd.s32 @!p0 s8, s13;
	s14 =	simm.s32 @!p0 $0x2800  }
0xb8: {  	[tilespmem:s14], [sflag:$0x1] =	stream.linear.gather @!p0 [hbm4b:s13+s16], $0x400, $0x38;
	[tilespmem:$0x1BB00] =	vst v63  }
0xb9: {  	_ =	swait.ge [sflag:s0], $0x400  }
0xba: {  	[sflag:s0] =	ssyncset.done $0x0  }
0xbb: {  	[sflag:s0] =	ssyncadd.s32 $0xFFFFFC00  }
0xbc: {  	_ =	swait.ge [sflag:s0], $0x400  }
0xbd: {  	[sflag:s0] =	ssyncset.done $0x0  }
0xbe: {  	[sflag:s0] =	ssyncadd.s32 $0xFFFFFC00  }
0xbf: {  	_ =	swait.ge [sflag:s0], $0x400  }
0xc0: {  	[sflag:s0] =	ssyncset.done $0x0  }
0xc1: {  	[sflag:s0] =	ssyncadd.s32 $0xFFFFFC00  }
0xc2: {  	_ =	swait.ge [sflag:s0], $0x400  }
0xc3: {  	[sflag:s0] =	ssyncset.done $0x0  }
0xc4: {  	[sflag:s0] =	ssyncadd.s32 $0xFFFFFC00  }
0xc5: {  	_ =	swait.ge [sflag:s0], $0x400  }
0xc6: {  	[sflag:s0] =	ssyncset.done $0x0  }
0xc7: {  	[sflag:s0] =	ssyncadd.s32 $0xFFFFFC00  }
0xc8: {  	_ =	swait.ge [sflag:s0], $0x400  }
0xc9: {  	[sflag:s0] =	ssyncset.done $0x0  }
0xca: {  	[sflag:s0] =	ssyncadd.s32 $0xFFFFFC00  }
0xcb: {  	_ =	swait.ge [sflag:s0], $0x400  }
0xcc: {  	[sflag:s0] =	ssyncset.done $0x0  }
0xcd: {  	[sflag:s0] =	ssyncadd.s32 $0xFFFFFC00  }
0xce: {  	_ =	swait.ge [sflag:s0], $0x400  }
0xcf: {  	[sflag:s0] =	ssyncset.done $0x0  }
0xd0: {  	[sflag:s0] =	ssyncadd.s32 $0xFFFFFC00  }
0xd1: {  	_ =	swait.ge [sflag:s0], $0x400  }
0xd2: {  	[sflag:s0] =	ssyncset.done $0x0  }
0xd3: {  	[sflag:s0] =	ssyncadd.s32 $0xFFFFFC00  }
0xd4: {  	_ =	swait.ge [sflag:s0], $0x400  }
0xd5: {  	[sflag:s0] =	ssyncset.done $0x0  }
0xd6: {  	[sflag:s0] =	ssyncadd.s32 $0xFFFFFC00  }
0xd7: {  	_ =	swait.ge [sflag:s0], $0x400  }
0xd8: {  	[sflag:s0] =	ssyncset.done $0x0  }
0xd9: {  	[sflag:s0] =	ssyncadd.s32 $0xFFFFFC00  }
0xda: {  	_ =	swait.ge [sflag:s0], $0x400  }
0xdb: {  	[sflag:s0] =	ssyncset.done $0x0  }
0xdc: {  	[sflag:s0] =	ssyncadd.s32 $0xFFFFFC00  }
0xdd: {  	_ =	swait.ge [sflag:s0], $0x400  }
0xde: {  	[sflag:s0] =	ssyncset.done $0x0  }
0xdf: {  	[sflag:s0] =	ssyncadd.s32 $0xFFFFFC00  }
0xe0: {  	_ =	swait.ge [sflag:s0], $0x400  }
0xe1: {  	[sflag:s0] =	ssyncset.done $0x0  }
0xe2: {  	[sflag:s0] =	ssyncadd.s32 $0xFFFFFC00  }
0xe3: {  	_ =	swait.ge [sflag:s0], $0x400  }
.Ltmp6:
0xe4: {  	[sflag:s0] =	ssyncset.done $0x0;
	(pc) =	sbr.rel .LBB2_6-.Ltmp6, $4  }
0xe5: {  	[sflag:s0] =	ssyncadd.s32 $0xFFFFFC00  }
0xe6: {  	_ =	swait.ge [sflag:s0], $0x400  }
0xe7: {  	[sflag:s0] =	ssyncset.done $0x0  }
0xe8: {  	[sflag:s0] =	ssyncadd.s32 $0xFFFFFC00  }
.LBB2_8:
0xe9: {  	_ =	sfence.sel $0x180000  }
0xea: {  	[bflag:$0x0] =	sbarrier.arrive $0xFFFF  }
0xeb: {  	_ =	strace $0x90000047  }
0xec: {  	s0 =	stileid.u32;
	[bflag:$0x2] =	sbarrier.arrive $0xFFFF  }
0xed: {  	p0 =	sne.s32 s0, $0x0;
	s0 =	rddreg [dreg:$0x4]  }
0xee: {  	s0 =	sadd.s32 @!p0 $0x100000, s0  }
0xef: {  	[sflag:s0] =	ssyncadd.tile.s32 @!p0 $0x1;
	_ =	shalt  }
.Lfunc_end2:
_tile_overlayer_lowered:
.L_overlay_start_2:
0xf0: {  	(tag) =	ssettag $0x2  }
0xf1: {  	s0 =	rddreg [dreg:$0x0];
	s2 =	stileid.u32  }
0xf2: {  	s1 =	rddreg [dreg:$0x1];
	p0 =	sne.s32 s2, $0x0  }
0xf3: {  	s3 =	rddreg [dreg:$0x2];
	[bflag:$0x3] =	sbarrier.arrive $0xFFFF;
	s2 =	simm.s32 @!p0 $0x1C04  }
0xf4: {  	[timem:s3], [sflag:s2] =	dma.local @!p0 [hbm:s0], s1  }
0xf5: {  	s0 =	simm.s32 @!p0 $0x4  }
0xf6: {  	_ =	swait.ge @!p0 [sflag:s0], s1  }
0xf7: {  	s1 =	ssub.s32 @!p0 $0x0, s1;
	[sflag:s0] =	ssyncset.done @!p0 $0x0  }
0xf8: {  	[sflag:s0] =	ssyncadd.s32 @!p0 s1  }
0xf9: {  	[bflag:$0x3] =	sbarrier.arrive $0xFFFF  }
0xfa: {  	_ =	shalt  }

</sc_bundles>
